<compile_context>
chip_gen: v7x
topology: tpu7x:2x2x1
jax: 0.10.2.dev20260603
libtpu: 0.0.44.dev20260713+nightly
codegen_flags: <defaults>
</compile_context>

<pallas_src>
import functools

import jax
import jax.numpy as jnp
from jax import lax
from jax.experimental import pallas as pl
from jax.experimental.pallas import tpu as pltpu
from jax.experimental.pallas import tpu_sc as plsc

VOCAB = 16
D = 1024
TOKENS = 4 * 8192

_info = plsc.get_sparse_core_info()
NC, NS = _info.num_cores, _info.num_subcores
NW = NC * NS
TPW = TOKENS // NW
BURST = 8
DEPTH_B = 2


def _sc_body(ids_hbm, w_hbm, cm_hbm, out_hbm,
             ids_sm, cm_sm, ids_sh, cm_sh, trc_sh, wrow_v, prow_v, tab_v,
             sems, semw):
    sid = lax.axis_index("s")
    wid = sid * NC + lax.axis_index("c")
    base = wid * TPW

    cp_ids = pltpu.async_copy(ids_hbm.at[pl.ds(base, TPW)], ids_sh.at[sid],
                              sems.at[0])
    cp_cm = pltpu.async_copy(cm_hbm, cm_sh.at[sid], sems.at[1])
    cp_w = pltpu.async_copy(w_hbm, tab_v.at[pl.ds(0, VOCAB), pl.ds(0, D)],
                            sems.at[2])
    cp_cm.wait()
    pltpu.sync_copy(cm_sh.at[sid], cm_sm)

    pltpu.sync_copy(w_hbm.at[cm_sm[sid]], wrow_v)

    def rc_chunk(j, carry):
        v = wrow_v[pl.ds(D - 16 * j - 16, 16)]
        prow_v[pl.ds(16 * j, 16)] = lax.rev(v, (0,))
        return carry

    lax.fori_loop(0, D // 16, rc_chunk, 0)
    pltpu.sync_copy(prow_v, trc_sh.at[sid])
    cp_ids.wait()
    pltpu.sync_copy(ids_sh.at[sid], ids_sm)
    cp_w.wait()
    plsc.subcore_barrier()
    pltpu.sync_copy(trc_sh, tab_v.at[pl.ds(0, VOCAB), pl.ds(D, D)])

    def issue_burst(i, carry):
        t = i * BURST
        for u in range(BURST):
            pltpu.async_copy(tab_v.at[ids_sm[t + u]],
                             out_hbm.at[base + t + u], semw)
        return carry

    def wait_burst():
        pltpu.make_async_copy(tab_v.at[pl.ds(0, BURST)],
                              out_hbm.at[pl.ds(base, BURST)], semw).wait()

    def step(i, carry):
        issue_burst(i, carry)
        wait_burst()
        return carry

    def drain(j, carry):
        wait_burst()
        return carry

    lax.fori_loop(0, DEPTH_B, issue_burst, 0)
    lax.fori_loop(DEPTH_B, TPW // BURST, step, 0)
    lax.fori_loop(0, DEPTH_B, drain, 0)


def _sc_write(ids, weight, comp_map):
    mesh = plsc.VectorSubcoreMesh(core_axis_name="c", subcore_axis_name="s")
    f = functools.partial(
        pl.kernel,
        mesh=mesh,
        out_type=jax.ShapeDtypeStruct((TOKENS, 2 * D), jnp.float32),
        scratch_types=[
            pltpu.SMEM((TPW,), jnp.int32),
            pltpu.SMEM((VOCAB,), jnp.int32),
            pltpu.VMEM_SHARED((NS, TPW), jnp.int32),
            pltpu.VMEM_SHARED((NS, VOCAB), jnp.int32),
            pltpu.VMEM_SHARED((VOCAB, D), jnp.float32),
            pltpu.VMEM((D,), jnp.float32),
            pltpu.VMEM((D,), jnp.float32),
            pltpu.VMEM((VOCAB, 2 * D), jnp.float32),
            pltpu.SemaphoreType.DMA((3,)),
            pltpu.SemaphoreType.DMA,
        ],
    )(_sc_body)
    return f(ids, weight, comp_map)


def kernel(input_ids, weight, comp_map):
    ids = input_ids.reshape(-1)
    out = _sc_write(ids, weight, comp_map)
    return out.reshape(input_ids.shape[0], input_ids.shape[1], 2 * D)

# --- scband reference (transcript-rebuilt; emitter-appended) ---
"""Pipeline reference for scband-rcpsembedding-82617990906610 (READ-ONLY COPY).

The authoritative reference and input builder live on the scoring server;
editing this copy changes nothing except your own understanding.
"""

import jax, jax.numpy as jnp
import numpy as np

VOCAB = 16
D_MODEL = 1024
BATCH = 4
SEQ = 8192


def setup_inputs(seed: int = 0) -> dict:
    key = jax.random.key(seed)
    k1, k2 = jax.random.split(key)
    input_ids = jax.random.randint(k1, (BATCH, SEQ), 0, VOCAB, dtype=jnp.int32)
    # nn.Embedding default init: N(0, 1)
    weight = jax.random.normal(k2, (VOCAB, D_MODEL), dtype=jnp.float32)
    # complement_map buffer: token i -> 15 - i
    comp_map = jnp.arange(VOCAB - 1, -1, -1, dtype=jnp.int32)
    return {"input_ids": input_ids, "weight": weight, "comp_map": comp_map}


def reference(input_ids, weight, comp_map):
    # fwd_out = embedding(input_ids)
    fwd_out = jnp.take(weight, input_ids, axis=0)  # (B, S, D)
    # rc(x): flip along length, then map each id to its complement
    rc_ids = jnp.take(comp_map, jnp.flip(input_ids, axis=-1), axis=0)
    # rc_out = flip(embedding(rc_ids), dims=[-2, -1])
    rc_out = jnp.flip(jnp.take(weight, rc_ids, axis=0), axis=(-2, -1))
    return jnp.concatenate([fwd_out, rc_out], axis=-1)  # (B, S, 2*D)

if __name__ == "__main__":
    import jax
    _d = setup_inputs()
    print(jax.jit(kernel)(*tuple(_d.values())))

</pallas_src>

<mosaic_0001>
#map = affine_map<(d0, d1) -> (0)>
#map1 = affine_map<(d0, d1) -> (0, 0)>
module attributes {stable_mosaic.version = 14 : i64} {
  func.func @_sc_body(%arg0: i32, %arg1: i32, %arg2: memref<32768xi32, #tpu.memory_space<hbm>>, %arg3: memref<16x1024xf32, #tpu.memory_space<hbm>>, %arg4: memref<16xi32, #tpu.memory_space<hbm>>, %arg5: memref<32768x2048xf32, #tpu.memory_space<hbm>>, %arg6: memref<1024xi32, #tpu.memory_space<smem>>, %arg7: memref<16xi32, #tpu.memory_space<smem>>, %arg8: memref<16x1024xi32, #tpu.memory_space<vmem_shared>>, %arg9: memref<16x16xi32, #tpu.memory_space<vmem_shared>>, %arg10: memref<16x1024xf32, #tpu.memory_space<vmem_shared>>, %arg11: memref<1024xf32, #tpu.memory_space<vmem>>, %arg12: memref<1024xf32, #tpu.memory_space<vmem>>, %arg13: memref<16x2048xf32, #tpu.memory_space<vmem>>, %arg14: memref<3x!tpu.dma_semaphore, #tpu.memory_space<semaphore_mem>>, %arg15: memref<!tpu.dma_semaphore, #tpu.memory_space<semaphore_mem>>) attributes {dimension_semantics = [#tpu.dimension_semantics<core_parallel>, #tpu.dimension_semantics<subcore_parallel>], iteration_bounds = array<i64: 2, 16>, scalar_prefetch = 0 : i64, scratch_operands = 10 : i64, tpu.core_type = #tpu.core_type<sc_vector_subcore>, window_params = [{transform_indices = #map}, {transform_indices = #map1}, {transform_indices = #map}, {transform_indices = #map1}]} {
    %mul3A = arith.constant 2 : i32
    %mul3A_0 = arith.muli %arg1, %mul3A : i32
    %add3A = arith.addi %mul3A_0, %arg0 : i32
    %mul3A_1 = arith.constant 1024 : i32
    %mul3A_2 = arith.muli %add3A, %mul3A_1 : i32
    %dma_start3A = arith.constant 0 : i32
    %dma_start3A_3 = tpu.memref_slice %arg14[%dma_start3A] : memref<3x!tpu.dma_semaphore, #tpu.memory_space<semaphore_mem>> -> memref<1x!tpu.dma_semaphore, #tpu.memory_space<semaphore_mem>>
    %dma_start3A_4 = tpu.memref_squeeze %dma_start3A_3 : memref<1x!tpu.dma_semaphore, #tpu.memory_space<semaphore_mem>> -> memref<!tpu.dma_semaphore, #tpu.memory_space<semaphore_mem>>
    %dma_start3A_5 = arith.constant 0 : i32
    %dma_start3A_6 = tpu.memref_slice %arg8[%arg1, %dma_start3A_5] : memref<16x1024xi32, #tpu.memory_space<vmem_shared>> -> memref<1x1024xi32, #tpu.memory_space<vmem_shared>>
    %dma_start3A_7 = tpu.memref_squeeze %dma_start3A_6 : memref<1x1024xi32, #tpu.memory_space<vmem_shared>> -> memref<1024xi32, #tpu.memory_space<vmem_shared>>
    %dma_start3A_8 = tpu.memref_slice %arg2[%mul3A_2] : memref<32768xi32, #tpu.memory_space<hbm>> -> memref<1024xi32, #tpu.memory_space<hbm>>
    tpu.enqueue_dma source(%dma_start3A_8 : memref<1024xi32, #tpu.memory_space<hbm>>) target(%dma_start3A_7 : memref<1024xi32, #tpu.memory_space<vmem_shared>>) target_semaphore(%dma_start3A_4 : memref<!tpu.dma_semaphore, #tpu.memory_space<semaphore_mem>>)
    %dma_start3A_9 = arith.constant 1 : i32
    %dma_start3A_10 = tpu.memref_slice %arg14[%dma_start3A_9] : memref<3x!tpu.dma_semaphore, #tpu.memory_space<semaphore_mem>> -> memref<1x!tpu.dma_semaphore, #tpu.memory_space<semaphore_mem>>
    %dma_start3A_11 = tpu.memref_squeeze %dma_start3A_10 : memref<1x!tpu.dma_semaphore, #tpu.memory_space<semaphore_mem>> -> memref<!tpu.dma_semaphore, #tpu.memory_space<semaphore_mem>>
    %dma_start3A_12 = arith.constant 0 : i32
    %dma_start3A_13 = tpu.memref_slice %arg9[%arg1, %dma_start3A_12] : memref<16x16xi32, #tpu.memory_space<vmem_shared>> -> memref<1x16xi32, #tpu.memory_space<vmem_shared>>
    %dma_start3A_14 = tpu.memref_squeeze %dma_start3A_13 : memref<1x16xi32, #tpu.memory_space<vmem_shared>> -> memref<16xi32, #tpu.memory_space<vmem_shared>>
    tpu.enqueue_dma source(%arg4 : memref<16xi32, #tpu.memory_space<hbm>>) target(%dma_start3A_14 : memref<16xi32, #tpu.memory_space<vmem_shared>>) target_semaphore(%dma_start3A_11 : memref<!tpu.dma_semaphore, #tpu.memory_space<semaphore_mem>>)
    %dma_start3A_15 = arith.constant 2 : i32
    %dma_start3A_16 = arith.constant 0 : i32
    %dma_start3A_17 = arith.constant 0 : i32
    %dma_start3A_18 = tpu.memref_slice %arg13[%dma_start3A_16, %dma_start3A_17] : memref<16x2048xf32, #tpu.memory_space<vmem>> -> memref<16x1024xf32, #tpu.memory_space<vmem>>
    %dma_start3A_19 = tpu.memref_slice %arg14[%dma_start3A_15] : memref<3x!tpu.dma_semaphore, #tpu.memory_space<semaphore_mem>> -> memref<1x!tpu.dma_semaphore, #tpu.memory_space<semaphore_mem>>
    %dma_start3A_20 = tpu.memref_squeeze %dma_start3A_19 : memref<1x!tpu.dma_semaphore, #tpu.memory_space<semaphore_mem>> -> memref<!tpu.dma_semaphore, #tpu.memory_space<semaphore_mem>>
    %dma_start3A_21 = arith.constant 0 : i32
    %dma_start3A_22 = arith.constant 0 : i32
    %dma_start3A_23 = tpu.memref_slice %arg13[%dma_start3A_21, %dma_start3A_22] : memref<16x2048xf32, #tpu.memory_space<vmem>> -> memref<16x1024xf32, #tpu.memory_space<vmem>>
    tpu.enqueue_dma source(%arg3 : memref<16x1024xf32, #tpu.memory_space<hbm>>) target(%dma_start3A_23 : memref<16x1024xf32, #tpu.memory_space<vmem>>) target_semaphore(%dma_start3A_20 : memref<!tpu.dma_semaphore, #tpu.memory_space<semaphore_mem>>)
    %dma_wait3A = arith.constant 1 : i32
    %dma_wait3A_24 = tpu.memref_slice %arg14[%dma_wait3A] : memref<3x!tpu.dma_semaphore, #tpu.memory_space<semaphore_mem>> -> memref<1x!tpu.dma_semaphore, #tpu.memory_space<semaphore_mem>>
    %dma_wait3A_25 = tpu.memref_squeeze %dma_wait3A_24 : memref<1x!tpu.dma_semaphore, #tpu.memory_space<semaphore_mem>> -> memref<!tpu.dma_semaphore, #tpu.memory_space<semaphore_mem>>
    %dma_wait3A_26 = arith.constant 0 : i32
    %dma_wait3A_27 = tpu.memref_slice %arg9[%arg1, %dma_wait3A_26] : memref<16x16xi32, #tpu.memory_space<vmem_shared>> -> memref<1x16xi32, #tpu.memory_space<vmem_shared>>
    %dma_wait3A_28 = tpu.memref_squeeze %dma_wait3A_27 : memref<1x16xi32, #tpu.memory_space<vmem_shared>> -> memref<16xi32, #tpu.memory_space<vmem_shared>>
    tpu.wait_dma2 semaphore(%dma_wait3A_25 : memref<!tpu.dma_semaphore, #tpu.memory_space<semaphore_mem>>) src(%arg4 : memref<16xi32, #tpu.memory_space<hbm>>) dst(%dma_wait3A_28 : memref<16xi32, #tpu.memory_space<vmem_shared>>)
    "tpu.region"() ({
      %run_scoped3A = tpu.sem_alloc : memref<!tpu.dma_semaphore, #tpu.memory_space<semaphore_mem>>
      %dma_start3A_69 = arith.constant 0 : i32
      %dma_start3A_70 = tpu.memref_slice %arg9[%arg1, %dma_start3A_69] : memref<16x16xi32, #tpu.memory_space<vmem_shared>> -> memref<1x16xi32, #tpu.memory_space<vmem_shared>>
      %dma_start3A_71 = tpu.memref_squeeze %dma_start3A_70 : memref<1x16xi32, #tpu.memory_space<vmem_shared>> -> memref<16xi32, #tpu.memory_space<vmem_shared>>
      tpu.enqueue_dma source(%dma_start3A_71 : memref<16xi32, #tpu.memory_space<vmem_shared>>) target(%arg7 : memref<16xi32, #tpu.memory_space<smem>>) target_semaphore(%run_scoped3A : memref<!tpu.dma_semaphore, #tpu.memory_space<semaphore_mem>>)
      %dma_wait3A_72 = arith.constant 0 : i32
      %dma_wait3A_73 = tpu.memref_slice %arg9[%arg1, %dma_wait3A_72] : memref<16x16xi32, #tpu.memory_space<vmem_shared>> -> memref<1x16xi32, #tpu.memory_space<vmem_shared>>
      %dma_wait3A_74 = tpu.memref_squeeze %dma_wait3A_73 : memref<1x16xi32, #tpu.memory_space<vmem_shared>> -> memref<16xi32, #tpu.memory_space<vmem_shared>>
      tpu.wait_dma2 semaphore(%run_scoped3A : memref<!tpu.dma_semaphore, #tpu.memory_space<semaphore_mem>>) src(%dma_wait3A_74 : memref<16xi32, #tpu.memory_space<vmem_shared>>) dst(%arg7 : memref<16xi32, #tpu.memory_space<smem>>)
      tpu.yield
    }) : () -> ()
    %get3A = arith.index_cast %arg1 : i32 to index
    %get3A_29 = memref.load %arg7[%get3A] : memref<16xi32, #tpu.memory_space<smem>>
    "tpu.region"() ({
      %run_scoped3A = tpu.sem_alloc : memref<!tpu.dma_semaphore, #tpu.memory_space<semaphore_mem>>
      %dma_start3A_69 = arith.constant 0 : i32
      %dma_start3A_70 = tpu.memref_slice %arg3[%get3A_29, %dma_start3A_69] : memref<16x1024xf32, #tpu.memory_space<hbm>> -> memref<1x1024xf32, #tpu.memory_space<hbm>>
      %dma_start3A_71 = tpu.memref_squeeze %dma_start3A_70 : memref<1x1024xf32, #tpu.memory_space<hbm>> -> memref<1024xf32, #tpu.memory_space<hbm>>
      %dma_start3A_72 = arith.constant 0 : i32
      %dma_start3A_73 = tpu.memref_slice %arg3[%get3A_29, %dma_start3A_72] : memref<16x1024xf32, #tpu.memory_space<hbm>> -> memref<1x1024xf32, #tpu.memory_space<hbm>>
      %dma_start3A_74 = tpu.memref_squeeze %dma_start3A_73 : memref<1x1024xf32, #tpu.memory_space<hbm>> -> memref<1024xf32, #tpu.memory_space<hbm>>
      tpu.enqueue_dma source(%dma_start3A_74 : memref<1024xf32, #tpu.memory_space<hbm>>) target(%arg11 : memref<1024xf32, #tpu.memory_space<vmem>>) target_semaphore(%run_scoped3A : memref<!tpu.dma_semaphore, #tpu.memory_space<semaphore_mem>>)
      %dma_wait3A_75 = arith.constant 0 : i32
      %dma_wait3A_76 = tpu.memref_slice %arg3[%get3A_29, %dma_wait3A_75] : memref<16x1024xf32, #tpu.memory_space<hbm>> -> memref<1x1024xf32, #tpu.memory_space<hbm>>
      %dma_wait3A_77 = tpu.memref_squeeze %dma_wait3A_76 : memref<1x1024xf32, #tpu.memory_space<hbm>> -> memref<1024xf32, #tpu.memory_space<hbm>>
      %dma_wait3A_78 = arith.constant 0 : i32
      %dma_wait3A_79 = tpu.memref_slice %arg3[%get3A_29, %dma_wait3A_78] : memref<16x1024xf32, #tpu.memory_space<hbm>> -> memref<1x1024xf32, #tpu.memory_space<hbm>>
      %dma_wait3A_80 = tpu.memref_squeeze %dma_wait3A_79 : memref<1x1024xf32, #tpu.memory_space<hbm>> -> memref<1024xf32, #tpu.memory_space<hbm>>
      tpu.wait_dma2 semaphore(%run_scoped3A : memref<!tpu.dma_semaphore, #tpu.memory_space<semaphore_mem>>) src(%dma_wait3A_80 : memref<1024xf32, #tpu.memory_space<hbm>>) dst(%arg11 : memref<1024xf32, #tpu.memory_space<vmem>>)
      tpu.yield
    }) : () -> ()
    %scan3A = arith.constant 0 : i32
    %scan3A_30 = arith.constant 0 : i32
    %scan3A_31 = arith.constant 64 : i32
    %scan3A_32 = arith.addi %scan3A_30, %scan3A_31 : i32
    %scan3A_33 = arith.constant 1 : i32
    scf.for %scan3A_69 = %scan3A_30 to %scan3A_32 step %scan3A_33  : i32 {
      %mul3A_70 = arith.constant 16 : i32
      %mul3A_71 = arith.muli %mul3A_70, %scan3A_69 : i32
      %sub3A = arith.constant 1024 : i32
      %sub3A_72 = arith.subi %sub3A, %mul3A_71 : i32
      %sub3A_73 = arith.constant 16 : i32
      %sub3A_74 = arith.subi %sub3A_72, %sub3A_73 : i32
      %get3A_75 = arith.index_cast %sub3A_74 : i32 to index
      %get3A_76 = tpu.vector_load %arg11[%get3A_75] {strides = array<i32>} : memref<1024xf32, #tpu.memory_space<vmem>>, vector<16xf32>,
      %get3A_77 = vector.shape_cast %get3A_76 : vector<16xf32> to vector<16xf32>
      %rev3A = arith.constant 15 : i32
      %rev3A_78 = vector.broadcast %rev3A : i32 to vector<16xi32>
      %rev3A_79 = tpu.iota {dimensions = array<i32: 0>} : vector<16xi32>
      %rev3A_80 = arith.subi %rev3A_78, %rev3A_79 : vector<16xi32>
      %rev3A_81 = tpu.dynamic_gather %get3A_77[%rev3A_80] in [0] : vector<16xf32>, vector<16xi32> -> vector<16xf32>
      %mul3A_82 = arith.constant 16 : i32
      %mul3A_83 = arith.muli %mul3A_82, %scan3A_69 : i32
      %swap3A = arith.index_cast %mul3A_83 : i32 to index
      %swap3A_84 = tpu.vector_load %arg12[%swap3A] {strides = array<i32>} : memref<1024xf32, #tpu.memory_space<vmem>>, vector<16xf32>,
      %swap3A_85 = vector.shape_cast %swap3A_84 : vector<16xf32> to vector<16xf32>
      %swap3A_86 = vector.shape_cast %rev3A_81 : vector<16xf32> to vector<16xf32>
      tpu.vector_store %arg12[%swap3A], %swap3A_86 {strides = array<i32>} : memref<1024xf32, #tpu.memory_space<vmem>>, vector<16xf32>,
    }
    %scan3A_34 = arith.constant 64 : i32
    "tpu.region"() ({
      %run_scoped3A = tpu.sem_alloc : memref<!tpu.dma_semaphore, #tpu.memory_space<semaphore_mem>>
      %dma_start3A_69 = arith.constant 0 : i32
      %dma_start3A_70 = tpu.memref_slice %arg10[%arg1, %dma_start3A_69] : memref<16x1024xf32, #tpu.memory_space<vmem_shared>> -> memref<1x1024xf32, #tpu.memory_space<vmem_shared>>
      %dma_start3A_71 = tpu.memref_squeeze %dma_start3A_70 : memref<1x1024xf32, #tpu.memory_space<vmem_shared>> -> memref<1024xf32, #tpu.memory_space<vmem_shared>>
      %dma_start3A_72 = arith.constant 0 : i32
      %dma_start3A_73 = tpu.memref_slice %arg10[%arg1, %dma_start3A_72] : memref<16x1024xf32, #tpu.memory_space<vmem_shared>> -> memref<1x1024xf32, #tpu.memory_space<vmem_shared>>
      %dma_start3A_74 = tpu.memref_squeeze %dma_start3A_73 : memref<1x1024xf32, #tpu.memory_space<vmem_shared>> -> memref<1024xf32, #tpu.memory_space<vmem_shared>>
      tpu.enqueue_dma source(%arg12 : memref<1024xf32, #tpu.memory_space<vmem>>) target(%dma_start3A_74 : memref<1024xf32, #tpu.memory_space<vmem_shared>>) target_semaphore(%run_scoped3A : memref<!tpu.dma_semaphore, #tpu.memory_space<semaphore_mem>>)
      %dma_wait3A_75 = arith.constant 0 : i32
      %dma_wait3A_76 = tpu.memref_slice %arg10[%arg1, %dma_wait3A_75] : memref<16x1024xf32, #tpu.memory_space<vmem_shared>> -> memref<1x1024xf32, #tpu.memory_space<vmem_shared>>
      %dma_wait3A_77 = tpu.memref_squeeze %dma_wait3A_76 : memref<1x1024xf32, #tpu.memory_space<vmem_shared>> -> memref<1024xf32, #tpu.memory_space<vmem_shared>>
      %dma_wait3A_78 = arith.constant 0 : i32
      %dma_wait3A_79 = tpu.memref_slice %arg10[%arg1, %dma_wait3A_78] : memref<16x1024xf32, #tpu.memory_space<vmem_shared>> -> memref<1x1024xf32, #tpu.memory_space<vmem_shared>>
      %dma_wait3A_80 = tpu.memref_squeeze %dma_wait3A_79 : memref<1x1024xf32, #tpu.memory_space<vmem_shared>> -> memref<1024xf32, #tpu.memory_space<vmem_shared>>
      tpu.wait_dma2 semaphore(%run_scoped3A : memref<!tpu.dma_semaphore, #tpu.memory_space<semaphore_mem>>) src(%arg12 : memref<1024xf32, #tpu.memory_space<vmem>>) dst(%dma_wait3A_80 : memref<1024xf32, #tpu.memory_space<vmem_shared>>)
      tpu.yield
    }) : () -> ()
    %dma_wait3A_35 = arith.constant 0 : i32
    %dma_wait3A_36 = tpu.memref_slice %arg14[%dma_wait3A_35] : memref<3x!tpu.dma_semaphore, #tpu.memory_space<semaphore_mem>> -> memref<1x!tpu.dma_semaphore, #tpu.memory_space<semaphore_mem>>
    %dma_wait3A_37 = tpu.memref_squeeze %dma_wait3A_36 : memref<1x!tpu.dma_semaphore, #tpu.memory_space<semaphore_mem>> -> memref<!tpu.dma_semaphore, #tpu.memory_space<semaphore_mem>>
    %dma_wait3A_38 = arith.constant 0 : i32
    %dma_wait3A_39 = tpu.memref_slice %arg8[%arg1, %dma_wait3A_38] : memref<16x1024xi32, #tpu.memory_space<vmem_shared>> -> memref<1x1024xi32, #tpu.memory_space<vmem_shared>>
    %dma_wait3A_40 = tpu.memref_squeeze %dma_wait3A_39 : memref<1x1024xi32, #tpu.memory_space<vmem_shared>> -> memref<1024xi32, #tpu.memory_space<vmem_shared>>
    %dma_wait3A_41 = tpu.memref_slice %arg2[%mul3A_2] : memref<32768xi32, #tpu.memory_space<hbm>> -> memref<1024xi32, #tpu.memory_space<hbm>>
    tpu.wait_dma2 semaphore(%dma_wait3A_37 : memref<!tpu.dma_semaphore, #tpu.memory_space<semaphore_mem>>) src(%dma_wait3A_41 : memref<1024xi32, #tpu.memory_space<hbm>>) dst(%dma_wait3A_40 : memref<1024xi32, #tpu.memory_space<vmem_shared>>)
    "tpu.region"() ({
      %run_scoped3A = tpu.sem_alloc : memref<!tpu.dma_semaphore, #tpu.memory_space<semaphore_mem>>
      %dma_start3A_69 = arith.constant 0 : i32
      %dma_start3A_70 = tpu.memref_slice %arg8[%arg1, %dma_start3A_69] : memref<16x1024xi32, #tpu.memory_space<vmem_shared>> -> memref<1x1024xi32, #tpu.memory_space<vmem_shared>>
      %dma_start3A_71 = tpu.memref_squeeze %dma_start3A_70 : memref<1x1024xi32, #tpu.memory_space<vmem_shared>> -> memref<1024xi32, #tpu.memory_space<vmem_shared>>
      tpu.enqueue_dma source(%dma_start3A_71 : memref<1024xi32, #tpu.memory_space<vmem_shared>>) target(%arg6 : memref<1024xi32, #tpu.memory_space<smem>>) target_semaphore(%run_scoped3A : memref<!tpu.dma_semaphore, #tpu.memory_space<semaphore_mem>>)
      %dma_wait3A_72 = arith.constant 0 : i32
      %dma_wait3A_73 = tpu.memref_slice %arg8[%arg1, %dma_wait3A_72] : memref<16x1024xi32, #tpu.memory_space<vmem_shared>> -> memref<1x1024xi32, #tpu.memory_space<vmem_shared>>
      %dma_wait3A_74 = tpu.memref_squeeze %dma_wait3A_73 : memref<1x1024xi32, #tpu.memory_space<vmem_shared>> -> memref<1024xi32, #tpu.memory_space<vmem_shared>>
      tpu.wait_dma2 semaphore(%run_scoped3A : memref<!tpu.dma_semaphore, #tpu.memory_space<semaphore_mem>>) src(%dma_wait3A_74 : memref<1024xi32, #tpu.memory_space<vmem_shared>>) dst(%arg6 : memref<1024xi32, #tpu.memory_space<smem>>)
      tpu.yield
    }) : () -> ()
    %dma_wait3A_42 = arith.constant 2 : i32
    %dma_wait3A_43 = arith.constant 0 : i32
    %dma_wait3A_44 = arith.constant 0 : i32
    %dma_wait3A_45 = tpu.memref_slice %arg13[%dma_wait3A_43, %dma_wait3A_44] : memref<16x2048xf32, #tpu.memory_space<vmem>> -> memref<16x1024xf32, #tpu.memory_space<vmem>>
    %dma_wait3A_46 = tpu.memref_slice %arg14[%dma_wait3A_42] : memref<3x!tpu.dma_semaphore, #tpu.memory_space<semaphore_mem>> -> memref<1x!tpu.dma_semaphore, #tpu.memory_space<semaphore_mem>>
    %dma_wait3A_47 = tpu.memref_squeeze %dma_wait3A_46 : memref<1x!tpu.dma_semaphore, #tpu.memory_space<semaphore_mem>> -> memref<!tpu.dma_semaphore, #tpu.memory_space<semaphore_mem>>
    %dma_wait3A_48 = arith.constant 0 : i32
    %dma_wait3A_49 = arith.constant 0 : i32
    %dma_wait3A_50 = tpu.memref_slice %arg13[%dma_wait3A_48, %dma_wait3A_49] : memref<16x2048xf32, #tpu.memory_space<vmem>> -> memref<16x1024xf32, #tpu.memory_space<vmem>>
    tpu.wait_dma2 semaphore(%dma_wait3A_47 : memref<!tpu.dma_semaphore, #tpu.memory_space<semaphore_mem>>) src(%arg3 : memref<16x1024xf32, #tpu.memory_space<hbm>>) dst(%dma_wait3A_50 : memref<16x1024xf32, #tpu.memory_space<vmem>>)
    %barrier3A = arith.constant 0 : index
    tpu.barrier barrier_id(%barrier3A)
    "tpu.region"() ({
      %run_scoped3A = tpu.sem_alloc : memref<!tpu.dma_semaphore, #tpu.memory_space<semaphore_mem>>
      %dma_start3A_69 = arith.constant 0 : i32
      %dma_start3A_70 = arith.constant 1024 : i32
      %dma_start3A_71 = tpu.memref_slice %arg13[%dma_start3A_69, %dma_start3A_70] : memref<16x2048xf32, #tpu.memory_space<vmem>> -> memref<16x1024xf32, #tpu.memory_space<vmem>>
      %dma_start3A_72 = arith.constant 0 : i32
      %dma_start3A_73 = arith.constant 1024 : i32
      %dma_start3A_74 = tpu.memref_slice %arg13[%dma_start3A_72, %dma_start3A_73] : memref<16x2048xf32, #tpu.memory_space<vmem>> -> memref<16x1024xf32, #tpu.memory_space<vmem>>
      tpu.enqueue_dma source(%arg10 : memref<16x1024xf32, #tpu.memory_space<vmem_shared>>) target(%dma_start3A_74 : memref<16x1024xf32, #tpu.memory_space<vmem>>) target_semaphore(%run_scoped3A : memref<!tpu.dma_semaphore, #tpu.memory_space<semaphore_mem>>)
      %dma_wait3A_75 = arith.constant 0 : i32
      %dma_wait3A_76 = arith.constant 1024 : i32
      %dma_wait3A_77 = tpu.memref_slice %arg13[%dma_wait3A_75, %dma_wait3A_76] : memref<16x2048xf32, #tpu.memory_space<vmem>> -> memref<16x1024xf32, #tpu.memory_space<vmem>>
      %dma_wait3A_78 = arith.constant 0 : i32
      %dma_wait3A_79 = arith.constant 1024 : i32
      %dma_wait3A_80 = tpu.memref_slice %arg13[%dma_wait3A_78, %dma_wait3A_79] : memref<16x2048xf32, #tpu.memory_space<vmem>> -> memref<16x1024xf32, #tpu.memory_space<vmem>>
      tpu.wait_dma2 semaphore(%run_scoped3A : memref<!tpu.dma_semaphore, #tpu.memory_space<semaphore_mem>>) src(%arg10 : memref<16x1024xf32, #tpu.memory_space<vmem_shared>>) dst(%dma_wait3A_80 : memref<16x1024xf32, #tpu.memory_space<vmem>>)
      tpu.yield
    }) : () -> ()
    %scan3A_51 = arith.constant 0 : i32
    %scan3A_52 = arith.constant 0 : i32
    %scan3A_53 = arith.constant 2 : i32
    %scan3A_54 = arith.addi %scan3A_52, %scan3A_53 : i32
    %scan3A_55 = arith.constant 1 : i32
    scf.for %scan3A_69 = %scan3A_52 to %scan3A_54 step %scan3A_55  : i32 {
      %mul3A_70 = arith.constant 8 : i32
      %mul3A_71 = arith.muli %scan3A_69, %mul3A_70 : i32
      %add3A_72 = arith.constant 0 : i32
      %add3A_73 = arith.addi %mul3A_71, %add3A_72 : i32
      %get3A_74 = arith.index_cast %add3A_73 : i32 to index
      %get3A_75 = memref.load %arg6[%get3A_74] : memref<1024xi32, #tpu.memory_space<smem>>
      %add3A_76 = arith.addi %mul3A_2, %mul3A_71 : i32
      %add3A_77 = arith.constant 0 : i32
      %add3A_78 = arith.addi %add3A_76, %add3A_77 : i32
      %dma_start3A_79 = arith.constant 0 : i32
      %dma_start3A_80 = tpu.memref_slice %arg13[%get3A_75, %dma_start3A_79] : memref<16x2048xf32, #tpu.memory_space<vmem>> -> memref<1x2048xf32, #tpu.memory_space<vmem>>
      %dma_start3A_81 = tpu.memref_squeeze %dma_start3A_80 : memref<1x2048xf32, #tpu.memory_space<vmem>> -> memref<2048xf32, #tpu.memory_space<vmem>>
      %dma_start3A_82 = arith.constant 0 : i32
      %dma_start3A_83 = tpu.memref_slice %arg5[%add3A_78, %dma_start3A_82] : memref<32768x2048xf32, #tpu.memory_space<hbm>> -> memref<1x2048xf32, #tpu.memory_space<hbm>>
      %dma_start3A_84 = tpu.memref_squeeze %dma_start3A_83 : memref<1x2048xf32, #tpu.memory_space<hbm>> -> memref<2048xf32, #tpu.memory_space<hbm>>
      %dma_start3A_85 = arith.constant 0 : i32
      %dma_start3A_86 = tpu.memref_slice %arg5[%add3A_78, %dma_start3A_85] : memref<32768x2048xf32, #tpu.memory_space<hbm>> -> memref<1x2048xf32, #tpu.memory_space<hbm>>
      %dma_start3A_87 = tpu.memref_squeeze %dma_start3A_86 : memref<1x2048xf32, #tpu.memory_space<hbm>> -> memref<2048xf32, #tpu.memory_space<hbm>>
      %dma_start3A_88 = arith.constant 0 : i32
      %dma_start3A_89 = tpu.memref_slice %arg13[%get3A_75, %dma_start3A_88] : memref<16x2048xf32, #tpu.memory_space<vmem>> -> memref<1x2048xf32, #tpu.memory_space<vmem>>
      %dma_start3A_90 = tpu.memref_squeeze %dma_start3A_89 : memref<1x2048xf32, #tpu.memory_space<vmem>> -> memref<2048xf32, #tpu.memory_space<vmem>>
      tpu.enqueue_dma source(%dma_start3A_90 : memref<2048xf32, #tpu.memory_space<vmem>>) target(%dma_start3A_87 : memref<2048xf32, #tpu.memory_space<hbm>>) target_semaphore(%arg15 : memref<!tpu.dma_semaphore, #tpu.memory_space<semaphore_mem>>)
      %add3A_91 = arith.constant 1 : i32
      %add3A_92 = arith.addi %mul3A_71, %add3A_91 : i32
      %get3A_93 = arith.index_cast %add3A_92 : i32 to index
      %get3A_94 = memref.load %arg6[%get3A_93] : memref<1024xi32, #tpu.memory_space<smem>>
      %add3A_95 = arith.addi %mul3A_2, %mul3A_71 : i32
      %add3A_96 = arith.constant 1 : i32
      %add3A_97 = arith.addi %add3A_95, %add3A_96 : i32
      %dma_start3A_98 = arith.constant 0 : i32
      %dma_start3A_99 = tpu.memref_slice %arg13[%get3A_94, %dma_start3A_98] : memref<16x2048xf32, #tpu.memory_space<vmem>> -> memref<1x2048xf32, #tpu.memory_space<vmem>>
      %dma_start3A_100 = tpu.memref_squeeze %dma_start3A_99 : memref<1x2048xf32, #tpu.memory_space<vmem>> -> memref<2048xf32, #tpu.memory_space<vmem>>
      %dma_start3A_101 = arith.constant 0 : i32
      %dma_start3A_102 = tpu.memref_slice %arg5[%add3A_97, %dma_start3A_101] : memref<32768x2048xf32, #tpu.memory_space<hbm>> -> memref<1x2048xf32, #tpu.memory_space<hbm>>
      %dma_start3A_103 = tpu.memref_squeeze %dma_start3A_102 : memref<1x2048xf32, #tpu.memory_space<hbm>> -> memref<2048xf32, #tpu.memory_space<hbm>>
      %dma_start3A_104 = arith.constant 0 : i32
      %dma_start3A_105 = tpu.memref_slice %arg5[%add3A_97, %dma_start3A_104] : memref<32768x2048xf32, #tpu.memory_space<hbm>> -> memref<1x2048xf32, #tpu.memory_space<hbm>>
      %dma_start3A_106 = tpu.memref_squeeze %dma_start3A_105 : memref<1x2048xf32, #tpu.memory_space<hbm>> -> memref<2048xf32, #tpu.memory_space<hbm>>
      %dma_start3A_107 = arith.constant 0 : i32
      %dma_start3A_108 = tpu.memref_slice %arg13[%get3A_94, %dma_start3A_107] : memref<16x2048xf32, #tpu.memory_space<vmem>> -> memref<1x2048xf32, #tpu.memory_space<vmem>>
      %dma_start3A_109 = tpu.memref_squeeze %dma_start3A_108 : memref<1x2048xf32, #tpu.memory_space<vmem>> -> memref<2048xf32, #tpu.memory_space<vmem>>
      tpu.enqueue_dma source(%dma_start3A_109 : memref<2048xf32, #tpu.memory_space<vmem>>) target(%dma_start3A_106 : memref<2048xf32, #tpu.memory_space<hbm>>) target_semaphore(%arg15 : memref<!tpu.dma_semaphore, #tpu.memory_space<semaphore_mem>>)
      %add3A_110 = arith.constant 2 : i32
      %add3A_111 = arith.addi %mul3A_71, %add3A_110 : i32
      %get3A_112 = arith.index_cast %add3A_111 : i32 to index
      %get3A_113 = memref.load %arg6[%get3A_112] : memref<1024xi32, #tpu.memory_space<smem>>
      %add3A_114 = arith.addi %mul3A_2, %mul3A_71 : i32
      %add3A_115 = arith.constant 2 : i32
      %add3A_116 = arith.addi %add3A_114, %add3A_115 : i32
      %dma_start3A_117 = arith.constant 0 : i32
      %dma_start3A_118 = tpu.memref_slice %arg13[%get3A_113, %dma_start3A_117] : memref<16x2048xf32, #tpu.memory_space<vmem>> -> memref<1x2048xf32, #tpu.memory_space<vmem>>
      %dma_start3A_119 = tpu.memref_squeeze %dma_start3A_118 : memref<1x2048xf32, #tpu.memory_space<vmem>> -> memref<2048xf32, #tpu.memory_space<vmem>>
      %dma_start3A_120 = arith.constant 0 : i32
      %dma_start3A_121 = tpu.memref_slice %arg5[%add3A_116, %dma_start3A_120] : memref<32768x2048xf32, #tpu.memory_space<hbm>> -> memref<1x2048xf32, #tpu.memory_space<hbm>>
      %dma_start3A_122 = tpu.memref_squeeze %dma_start3A_121 : memref<1x2048xf32, #tpu.memory_space<hbm>> -> memref<2048xf32, #tpu.memory_space<hbm>>
      %dma_start3A_123 = arith.constant 0 : i32
      %dma_start3A_124 = tpu.memref_slice %arg5[%add3A_116, %dma_start3A_123] : memref<32768x2048xf32, #tpu.memory_space<hbm>> -> memref<1x2048xf32, #tpu.memory_space<hbm>>
      %dma_start3A_125 = tpu.memref_squeeze %dma_start3A_124 : memref<1x2048xf32, #tpu.memory_space<hbm>> -> memref<2048xf32, #tpu.memory_space<hbm>>
      %dma_start3A_126 = arith.constant 0 : i32
      %dma_start3A_127 = tpu.memref_slice %arg13[%get3A_113, %dma_start3A_126] : memref<16x2048xf32, #tpu.memory_space<vmem>> -> memref<1x2048xf32, #tpu.memory_space<vmem>>
      %dma_start3A_128 = tpu.memref_squeeze %dma_start3A_127 : memref<1x2048xf32, #tpu.memory_space<vmem>> -> memref<2048xf32, #tpu.memory_space<vmem>>
      tpu.enqueue_dma source(%dma_start3A_128 : memref<2048xf32, #tpu.memory_space<vmem>>) target(%dma_start3A_125 : memref<2048xf32, #tpu.memory_space<hbm>>) target_semaphore(%arg15 : memref<!tpu.dma_semaphore, #tpu.memory_space<semaphore_mem>>)
      %add3A_129 = arith.constant 3 : i32
      %add3A_130 = arith.addi %mul3A_71, %add3A_129 : i32
      %get3A_131 = arith.index_cast %add3A_130 : i32 to index
      %get3A_132 = memref.load %arg6[%get3A_131] : memref<1024xi32, #tpu.memory_space<smem>>
      %add3A_133 = arith.addi %mul3A_2, %mul3A_71 : i32
      %add3A_134 = arith.constant 3 : i32
      %add3A_135 = arith.addi %add3A_133, %add3A_134 : i32
      %dma_start3A_136 = arith.constant 0 : i32
      %dma_start3A_137 = tpu.memref_slice %arg13[%get3A_132, %dma_start3A_136] : memref<16x2048xf32, #tpu.memory_space<vmem>> -> memref<1x2048xf32, #tpu.memory_space<vmem>>
      %dma_start3A_138 = tpu.memref_squeeze %dma_start3A_137 : memref<1x2048xf32, #tpu.memory_space<vmem>> -> memref<2048xf32, #tpu.memory_space<vmem>>
      %dma_start3A_139 = arith.constant 0 : i32
      %dma_start3A_140 = tpu.memref_slice %arg5[%add3A_135, %dma_start3A_139] : memref<32768x2048xf32, #tpu.memory_space<hbm>> -> memref<1x2048xf32, #tpu.memory_space<hbm>>
      %dma_start3A_141 = tpu.memref_squeeze %dma_start3A_140 : memref<1x2048xf32, #tpu.memory_space<hbm>> -> memref<2048xf32, #tpu.memory_space<hbm>>
      %dma_start3A_142 = arith.constant 0 : i32
      %dma_start3A_143 = tpu.memref_slice %arg5[%add3A_135, %dma_start3A_142] : memref<32768x2048xf32, #tpu.memory_space<hbm>> -> memref<1x2048xf32, #tpu.memory_space<hbm>>
      %dma_start3A_144 = tpu.memref_squeeze %dma_start3A_143 : memref<1x2048xf32, #tpu.memory_space<hbm>> -> memref<2048xf32, #tpu.memory_space<hbm>>
      %dma_start3A_145 = arith.constant 0 : i32
      %dma_start3A_146 = tpu.memref_slice %arg13[%get3A_132, %dma_start3A_145] : memref<16x2048xf32, #tpu.memory_space<vmem>> -> memref<1x2048xf32, #tpu.memory_space<vmem>>
      %dma_start3A_147 = tpu.memref_squeeze %dma_start3A_146 : memref<1x2048xf32, #tpu.memory_space<vmem>> -> memref<2048xf32, #tpu.memory_space<vmem>>
      tpu.enqueue_dma source(%dma_start3A_147 : memref<2048xf32, #tpu.memory_space<vmem>>) target(%dma_start3A_144 : memref<2048xf32, #tpu.memory_space<hbm>>) target_semaphore(%arg15 : memref<!tpu.dma_semaphore, #tpu.memory_space<semaphore_mem>>)
      %add3A_148 = arith.constant 4 : i32
      %add3A_149 = arith.addi %mul3A_71, %add3A_148 : i32
      %get3A_150 = arith.index_cast %add3A_149 : i32 to index
      %get3A_151 = memref.load %arg6[%get3A_150] : memref<1024xi32, #tpu.memory_space<smem>>
      %add3A_152 = arith.addi %mul3A_2, %mul3A_71 : i32
      %add3A_153 = arith.constant 4 : i32
      %add3A_154 = arith.addi %add3A_152, %add3A_153 : i32
      %dma_start3A_155 = arith.constant 0 : i32
      %dma_start3A_156 = tpu.memref_slice %arg13[%get3A_151, %dma_start3A_155] : memref<16x2048xf32, #tpu.memory_space<vmem>> -> memref<1x2048xf32, #tpu.memory_space<vmem>>
      %dma_start3A_157 = tpu.memref_squeeze %dma_start3A_156 : memref<1x2048xf32, #tpu.memory_space<vmem>> -> memref<2048xf32, #tpu.memory_space<vmem>>
      %dma_start3A_158 = arith.constant 0 : i32
      %dma_start3A_159 = tpu.memref_slice %arg5[%add3A_154, %dma_start3A_158] : memref<32768x2048xf32, #tpu.memory_space<hbm>> -> memref<1x2048xf32, #tpu.memory_space<hbm>>
      %dma_start3A_160 = tpu.memref_squeeze %dma_start3A_159 : memref<1x2048xf32, #tpu.memory_space<hbm>> -> memref<2048xf32, #tpu.memory_space<hbm>>
      %dma_start3A_161 = arith.constant 0 : i32
      %dma_start3A_162 = tpu.memref_slice %arg5[%add3A_154, %dma_start3A_161] : memref<32768x2048xf32, #tpu.memory_space<hbm>> -> memref<1x2048xf32, #tpu.memory_space<hbm>>
      %dma_start3A_163 = tpu.memref_squeeze %dma_start3A_162 : memref<1x2048xf32, #tpu.memory_space<hbm>> -> memref<2048xf32, #tpu.memory_space<hbm>>
      %dma_start3A_164 = arith.constant 0 : i32
      %dma_start3A_165 = tpu.memref_slice %arg13[%get3A_151, %dma_start3A_164] : memref<16x2048xf32, #tpu.memory_space<vmem>> -> memref<1x2048xf32, #tpu.memory_space<vmem>>
      %dma_start3A_166 = tpu.memref_squeeze %dma_start3A_165 : memref<1x2048xf32, #tpu.memory_space<vmem>> -> memref<2048xf32, #tpu.memory_space<vmem>>
      tpu.enqueue_dma source(%dma_start3A_166 : memref<2048xf32, #tpu.memory_space<vmem>>) target(%dma_start3A_163 : memref<2048xf32, #tpu.memory_space<hbm>>) target_semaphore(%arg15 : memref<!tpu.dma_semaphore, #tpu.memory_space<semaphore_mem>>)
      %add3A_167 = arith.constant 5 : i32
      %add3A_168 = arith.addi %mul3A_71, %add3A_167 : i32
      %get3A_169 = arith.index_cast %add3A_168 : i32 to index
      %get3A_170 = memref.load %arg6[%get3A_169] : memref<1024xi32, #tpu.memory_space<smem>>
      %add3A_171 = arith.addi %mul3A_2, %mul3A_71 : i32
      %add3A_172 = arith.constant 5 : i32
      %add3A_173 = arith.addi %add3A_171, %add3A_172 : i32
      %dma_start3A_174 = arith.constant 0 : i32
      %dma_start3A_175 = tpu.memref_slice %arg13[%get3A_170, %dma_start3A_174] : memref<16x2048xf32, #tpu.memory_space<vmem>> -> memref<1x2048xf32, #tpu.memory_space<vmem>>
      %dma_start3A_176 = tpu.memref_squeeze %dma_start3A_175 : memref<1x2048xf32, #tpu.memory_space<vmem>> -> memref<2048xf32, #tpu.memory_space<vmem>>
      %dma_start3A_177 = arith.constant 0 : i32
      %dma_start3A_178 = tpu.memref_slice %arg5[%add3A_173, %dma_start3A_177] : memref<32768x2048xf32, #tpu.memory_space<hbm>> -> memref<1x2048xf32, #tpu.memory_space<hbm>>
      %dma_start3A_179 = tpu.memref_squeeze %dma_start3A_178 : memref<1x2048xf32, #tpu.memory_space<hbm>> -> memref<2048xf32, #tpu.memory_space<hbm>>
      %dma_start3A_180 = arith.constant 0 : i32
      %dma_start3A_181 = tpu.memref_slice %arg5[%add3A_173, %dma_start3A_180] : memref<32768x2048xf32, #tpu.memory_space<hbm>> -> memref<1x2048xf32, #tpu.memory_space<hbm>>
      %dma_start3A_182 = tpu.memref_squeeze %dma_start3A_181 : memref<1x2048xf32, #tpu.memory_space<hbm>> -> memref<2048xf32, #tpu.memory_space<hbm>>
      %dma_start3A_183 = arith.constant 0 : i32
      %dma_start3A_184 = tpu.memref_slice %arg13[%get3A_170, %dma_start3A_183] : memref<16x2048xf32, #tpu.memory_space<vmem>> -> memref<1x2048xf32, #tpu.memory_space<vmem>>
      %dma_start3A_185 = tpu.memref_squeeze %dma_start3A_184 : memref<1x2048xf32, #tpu.memory_space<vmem>> -> memref<2048xf32, #tpu.memory_space<vmem>>
      tpu.enqueue_dma source(%dma_start3A_185 : memref<2048xf32, #tpu.memory_space<vmem>>) target(%dma_start3A_182 : memref<2048xf32, #tpu.memory_space<hbm>>) target_semaphore(%arg15 : memref<!tpu.dma_semaphore, #tpu.memory_space<semaphore_mem>>)
      %add3A_186 = arith.constant 6 : i32
      %add3A_187 = arith.addi %mul3A_71, %add3A_186 : i32
      %get3A_188 = arith.index_cast %add3A_187 : i32 to index
      %get3A_189 = memref.load %arg6[%get3A_188] : memref<1024xi32, #tpu.memory_space<smem>>
      %add3A_190 = arith.addi %mul3A_2, %mul3A_71 : i32
      %add3A_191 = arith.constant 6 : i32
      %add3A_192 = arith.addi %add3A_190, %add3A_191 : i32
      %dma_start3A_193 = arith.constant 0 : i32
      %dma_start3A_194 = tpu.memref_slice %arg13[%get3A_189, %dma_start3A_193] : memref<16x2048xf32, #tpu.memory_space<vmem>> -> memref<1x2048xf32, #tpu.memory_space<vmem>>
      %dma_start3A_195 = tpu.memref_squeeze %dma_start3A_194 : memref<1x2048xf32, #tpu.memory_space<vmem>> -> memref<2048xf32, #tpu.memory_space<vmem>>
      %dma_start3A_196 = arith.constant 0 : i32
      %dma_start3A_197 = tpu.memref_slice %arg5[%add3A_192, %dma_start3A_196] : memref<32768x2048xf32, #tpu.memory_space<hbm>> -> memref<1x2048xf32, #tpu.memory_space<hbm>>
      %dma_start3A_198 = tpu.memref_squeeze %dma_start3A_197 : memref<1x2048xf32, #tpu.memory_space<hbm>> -> memref<2048xf32, #tpu.memory_space<hbm>>
      %dma_start3A_199 = arith.constant 0 : i32
      %dma_start3A_200 = tpu.memref_slice %arg5[%add3A_192, %dma_start3A_199] : memref<32768x2048xf32, #tpu.memory_space<hbm>> -> memref<1x2048xf32, #tpu.memory_space<hbm>>
      %dma_start3A_201 = tpu.memref_squeeze %dma_start3A_200 : memref<1x2048xf32, #tpu.memory_space<hbm>> -> memref<2048xf32, #tpu.memory_space<hbm>>
      %dma_start3A_202 = arith.constant 0 : i32
      %dma_start3A_203 = tpu.memref_slice %arg13[%get3A_189, %dma_start3A_202] : memref<16x2048xf32, #tpu.memory_space<vmem>> -> memref<1x2048xf32, #tpu.memory_space<vmem>>
      %dma_start3A_204 = tpu.memref_squeeze %dma_start3A_203 : memref<1x2048xf32, #tpu.memory_space<vmem>> -> memref<2048xf32, #tpu.memory_space<vmem>>
      tpu.enqueue_dma source(%dma_start3A_204 : memref<2048xf32, #tpu.memory_space<vmem>>) target(%dma_start3A_201 : memref<2048xf32, #tpu.memory_space<hbm>>) target_semaphore(%arg15 : memref<!tpu.dma_semaphore, #tpu.memory_space<semaphore_mem>>)
      %add3A_205 = arith.constant 7 : i32
      %add3A_206 = arith.addi %mul3A_71, %add3A_205 : i32
      %get3A_207 = arith.index_cast %add3A_206 : i32 to index
      %get3A_208 = memref.load %arg6[%get3A_207] : memref<1024xi32, #tpu.memory_space<smem>>
      %add3A_209 = arith.addi %mul3A_2, %mul3A_71 : i32
      %add3A_210 = arith.constant 7 : i32
      %add3A_211 = arith.addi %add3A_209, %add3A_210 : i32
      %dma_start3A_212 = arith.constant 0 : i32
      %dma_start3A_213 = tpu.memref_slice %arg13[%get3A_208, %dma_start3A_212] : memref<16x2048xf32, #tpu.memory_space<vmem>> -> memref<1x2048xf32, #tpu.memory_space<vmem>>
      %dma_start3A_214 = tpu.memref_squeeze %dma_start3A_213 : memref<1x2048xf32, #tpu.memory_space<vmem>> -> memref<2048xf32, #tpu.memory_space<vmem>>
      %dma_start3A_215 = arith.constant 0 : i32
      %dma_start3A_216 = tpu.memref_slice %arg5[%add3A_211, %dma_start3A_215] : memref<32768x2048xf32, #tpu.memory_space<hbm>> -> memref<1x2048xf32, #tpu.memory_space<hbm>>
      %dma_start3A_217 = tpu.memref_squeeze %dma_start3A_216 : memref<1x2048xf32, #tpu.memory_space<hbm>> -> memref<2048xf32, #tpu.memory_space<hbm>>
      %dma_start3A_218 = arith.constant 0 : i32
      %dma_start3A_219 = tpu.memref_slice %arg5[%add3A_211, %dma_start3A_218] : memref<32768x2048xf32, #tpu.memory_space<hbm>> -> memref<1x2048xf32, #tpu.memory_space<hbm>>
      %dma_start3A_220 = tpu.memref_squeeze %dma_start3A_219 : memref<1x2048xf32, #tpu.memory_space<hbm>> -> memref<2048xf32, #tpu.memory_space<hbm>>
      %dma_start3A_221 = arith.constant 0 : i32
      %dma_start3A_222 = tpu.memref_slice %arg13[%get3A_208, %dma_start3A_221] : memref<16x2048xf32, #tpu.memory_space<vmem>> -> memref<1x2048xf32, #tpu.memory_space<vmem>>
      %dma_start3A_223 = tpu.memref_squeeze %dma_start3A_222 : memref<1x2048xf32, #tpu.memory_space<vmem>> -> memref<2048xf32, #tpu.memory_space<vmem>>
      tpu.enqueue_dma source(%dma_start3A_223 : memref<2048xf32, #tpu.memory_space<vmem>>) target(%dma_start3A_220 : memref<2048xf32, #tpu.memory_space<hbm>>) target_semaphore(%arg15 : memref<!tpu.dma_semaphore, #tpu.memory_space<semaphore_mem>>)
    }
    %scan3A_56 = arith.constant 2 : i32
    %scan3A_57 = arith.constant 0 : i32
    %scan3A_58 = arith.constant 2 : i32
    %scan3A_59 = arith.constant 126 : i32
    %scan3A_60 = arith.addi %scan3A_58, %scan3A_59 : i32
    %scan3A_61 = arith.constant 1 : i32
    scf.for %scan3A_69 = %scan3A_58 to %scan3A_60 step %scan3A_61  : i32 {
      %mul3A_70 = arith.constant 8 : i32
      %mul3A_71 = arith.muli %scan3A_69, %mul3A_70 : i32
      %add3A_72 = arith.constant 0 : i32
      %add3A_73 = arith.addi %mul3A_71, %add3A_72 : i32
      %get3A_74 = arith.index_cast %add3A_73 : i32 to index
      %get3A_75 = memref.load %arg6[%get3A_74] : memref<1024xi32, #tpu.memory_space<smem>>
      %add3A_76 = arith.addi %mul3A_2, %mul3A_71 : i32
      %add3A_77 = arith.constant 0 : i32
      %add3A_78 = arith.addi %add3A_76, %add3A_77 : i32
      %dma_start3A_79 = arith.constant 0 : i32
      %dma_start3A_80 = tpu.memref_slice %arg13[%get3A_75, %dma_start3A_79] : memref<16x2048xf32, #tpu.memory_space<vmem>> -> memref<1x2048xf32, #tpu.memory_space<vmem>>
      %dma_start3A_81 = tpu.memref_squeeze %dma_start3A_80 : memref<1x2048xf32, #tpu.memory_space<vmem>> -> memref<2048xf32, #tpu.memory_space<vmem>>
      %dma_start3A_82 = arith.constant 0 : i32
      %dma_start3A_83 = tpu.memref_slice %arg5[%add3A_78, %dma_start3A_82] : memref<32768x2048xf32, #tpu.memory_space<hbm>> -> memref<1x2048xf32, #tpu.memory_space<hbm>>
      %dma_start3A_84 = tpu.memref_squeeze %dma_start3A_83 : memref<1x2048xf32, #tpu.memory_space<hbm>> -> memref<2048xf32, #tpu.memory_space<hbm>>
      %dma_start3A_85 = arith.constant 0 : i32
      %dma_start3A_86 = tpu.memref_slice %arg5[%add3A_78, %dma_start3A_85] : memref<32768x2048xf32, #tpu.memory_space<hbm>> -> memref<1x2048xf32, #tpu.memory_space<hbm>>
      %dma_start3A_87 = tpu.memref_squeeze %dma_start3A_86 : memref<1x2048xf32, #tpu.memory_space<hbm>> -> memref<2048xf32, #tpu.memory_space<hbm>>
      %dma_start3A_88 = arith.constant 0 : i32
      %dma_start3A_89 = tpu.memref_slice %arg13[%get3A_75, %dma_start3A_88] : memref<16x2048xf32, #tpu.memory_space<vmem>> -> memref<1x2048xf32, #tpu.memory_space<vmem>>
      %dma_start3A_90 = tpu.memref_squeeze %dma_start3A_89 : memref<1x2048xf32, #tpu.memory_space<vmem>> -> memref<2048xf32, #tpu.memory_space<vmem>>
      tpu.enqueue_dma source(%dma_start3A_90 : memref<2048xf32, #tpu.memory_space<vmem>>) target(%dma_start3A_87 : memref<2048xf32, #tpu.memory_space<hbm>>) target_semaphore(%arg15 : memref<!tpu.dma_semaphore, #tpu.memory_space<semaphore_mem>>)
      %add3A_91 = arith.constant 1 : i32
      %add3A_92 = arith.addi %mul3A_71, %add3A_91 : i32
      %get3A_93 = arith.index_cast %add3A_92 : i32 to index
      %get3A_94 = memref.load %arg6[%get3A_93] : memref<1024xi32, #tpu.memory_space<smem>>
      %add3A_95 = arith.addi %mul3A_2, %mul3A_71 : i32
      %add3A_96 = arith.constant 1 : i32
      %add3A_97 = arith.addi %add3A_95, %add3A_96 : i32
      %dma_start3A_98 = arith.constant 0 : i32
      %dma_start3A_99 = tpu.memref_slice %arg13[%get3A_94, %dma_start3A_98] : memref<16x2048xf32, #tpu.memory_space<vmem>> -> memref<1x2048xf32, #tpu.memory_space<vmem>>
      %dma_start3A_100 = tpu.memref_squeeze %dma_start3A_99 : memref<1x2048xf32, #tpu.memory_space<vmem>> -> memref<2048xf32, #tpu.memory_space<vmem>>
      %dma_start3A_101 = arith.constant 0 : i32
      %dma_start3A_102 = tpu.memref_slice %arg5[%add3A_97, %dma_start3A_101] : memref<32768x2048xf32, #tpu.memory_space<hbm>> -> memref<1x2048xf32, #tpu.memory_space<hbm>>
      %dma_start3A_103 = tpu.memref_squeeze %dma_start3A_102 : memref<1x2048xf32, #tpu.memory_space<hbm>> -> memref<2048xf32, #tpu.memory_space<hbm>>
      %dma_start3A_104 = arith.constant 0 : i32
      %dma_start3A_105 = tpu.memref_slice %arg5[%add3A_97, %dma_start3A_104] : memref<32768x2048xf32, #tpu.memory_space<hbm>> -> memref<1x2048xf32, #tpu.memory_space<hbm>>
      %dma_start3A_106 = tpu.memref_squeeze %dma_start3A_105 : memref<1x2048xf32, #tpu.memory_space<hbm>> -> memref<2048xf32, #tpu.memory_space<hbm>>
      %dma_start3A_107 = arith.constant 0 : i32
      %dma_start3A_108 = tpu.memref_slice %arg13[%get3A_94, %dma_start3A_107] : memref<16x2048xf32, #tpu.memory_space<vmem>> -> memref<1x2048xf32, #tpu.memory_space<vmem>>
      %dma_start3A_109 = tpu.memref_squeeze %dma_start3A_108 : memref<1x2048xf32, #tpu.memory_space<vmem>> -> memref<2048xf32, #tpu.memory_space<vmem>>
      tpu.enqueue_dma source(%dma_start3A_109 : memref<2048xf32, #tpu.memory_space<vmem>>) target(%dma_start3A_106 : memref<2048xf32, #tpu.memory_space<hbm>>) target_semaphore(%arg15 : memref<!tpu.dma_semaphore, #tpu.memory_space<semaphore_mem>>)
      %add3A_110 = arith.constant 2 : i32
      %add3A_111 = arith.addi %mul3A_71, %add3A_110 : i32
      %get3A_112 = arith.index_cast %add3A_111 : i32 to index
      %get3A_113 = memref.load %arg6[%get3A_112] : memref<1024xi32, #tpu.memory_space<smem>>
      %add3A_114 = arith.addi %mul3A_2, %mul3A_71 : i32
      %add3A_115 = arith.constant 2 : i32
      %add3A_116 = arith.addi %add3A_114, %add3A_115 : i32
      %dma_start3A_117 = arith.constant 0 : i32
      %dma_start3A_118 = tpu.memref_slice %arg13[%get3A_113, %dma_start3A_117] : memref<16x2048xf32, #tpu.memory_space<vmem>> -> memref<1x2048xf32, #tpu.memory_space<vmem>>
      %dma_start3A_119 = tpu.memref_squeeze %dma_start3A_118 : memref<1x2048xf32, #tpu.memory_space<vmem>> -> memref<2048xf32, #tpu.memory_space<vmem>>
      %dma_start3A_120 = arith.constant 0 : i32
      %dma_start3A_121 = tpu.memref_slice %arg5[%add3A_116, %dma_start3A_120] : memref<32768x2048xf32, #tpu.memory_space<hbm>> -> memref<1x2048xf32, #tpu.memory_space<hbm>>
      %dma_start3A_122 = tpu.memref_squeeze %dma_start3A_121 : memref<1x2048xf32, #tpu.memory_space<hbm>> -> memref<2048xf32, #tpu.memory_space<hbm>>
      %dma_start3A_123 = arith.constant 0 : i32
      %dma_start3A_124 = tpu.memref_slice %arg5[%add3A_116, %dma_start3A_123] : memref<32768x2048xf32, #tpu.memory_space<hbm>> -> memref<1x2048xf32, #tpu.memory_space<hbm>>
      %dma_start3A_125 = tpu.memref_squeeze %dma_start3A_124 : memref<1x2048xf32, #tpu.memory_space<hbm>> -> memref<2048xf32, #tpu.memory_space<hbm>>
      %dma_start3A_126 = arith.constant 0 : i32
      %dma_start3A_127 = tpu.memref_slice %arg13[%get3A_113, %dma_start3A_126] : memref<16x2048xf32, #tpu.memory_space<vmem>> -> memref<1x2048xf32, #tpu.memory_space<vmem>>
      %dma_start3A_128 = tpu.memref_squeeze %dma_start3A_127 : memref<1x2048xf32, #tpu.memory_space<vmem>> -> memref<2048xf32, #tpu.memory_space<vmem>>
      tpu.enqueue_dma source(%dma_start3A_128 : memref<2048xf32, #tpu.memory_space<vmem>>) target(%dma_start3A_125 : memref<2048xf32, #tpu.memory_space<hbm>>) target_semaphore(%arg15 : memref<!tpu.dma_semaphore, #tpu.memory_space<semaphore_mem>>)
      %add3A_129 = arith.constant 3 : i32
      %add3A_130 = arith.addi %mul3A_71, %add3A_129 : i32
      %get3A_131 = arith.index_cast %add3A_130 : i32 to index
      %get3A_132 = memref.load %arg6[%get3A_131] : memref<1024xi32, #tpu.memory_space<smem>>
      %add3A_133 = arith.addi %mul3A_2, %mul3A_71 : i32
      %add3A_134 = arith.constant 3 : i32
      %add3A_135 = arith.addi %add3A_133, %add3A_134 : i32
      %dma_start3A_136 = arith.constant 0 : i32
      %dma_start3A_137 = tpu.memref_slice %arg13[%get3A_132, %dma_start3A_136] : memref<16x2048xf32, #tpu.memory_space<vmem>> -> memref<1x2048xf32, #tpu.memory_space<vmem>>
      %dma_start3A_138 = tpu.memref_squeeze %dma_start3A_137 : memref<1x2048xf32, #tpu.memory_space<vmem>> -> memref<2048xf32, #tpu.memory_space<vmem>>
      %dma_start3A_139 = arith.constant 0 : i32
      %dma_start3A_140 = tpu.memref_slice %arg5[%add3A_135, %dma_start3A_139] : memref<32768x2048xf32, #tpu.memory_space<hbm>> -> memref<1x2048xf32, #tpu.memory_space<hbm>>
      %dma_start3A_141 = tpu.memref_squeeze %dma_start3A_140 : memref<1x2048xf32, #tpu.memory_space<hbm>> -> memref<2048xf32, #tpu.memory_space<hbm>>
      %dma_start3A_142 = arith.constant 0 : i32
      %dma_start3A_143 = tpu.memref_slice %arg5[%add3A_135, %dma_start3A_142] : memref<32768x2048xf32, #tpu.memory_space<hbm>> -> memref<1x2048xf32, #tpu.memory_space<hbm>>
      %dma_start3A_144 = tpu.memref_squeeze %dma_start3A_143 : memref<1x2048xf32, #tpu.memory_space<hbm>> -> memref<2048xf32, #tpu.memory_space<hbm>>
      %dma_start3A_145 = arith.constant 0 : i32
      %dma_start3A_146 = tpu.memref_slice %arg13[%get3A_132, %dma_start3A_145] : memref<16x2048xf32, #tpu.memory_space<vmem>> -> memref<1x2048xf32, #tpu.memory_space<vmem>>
      %dma_start3A_147 = tpu.memref_squeeze %dma_start3A_146 : memref<1x2048xf32, #tpu.memory_space<vmem>> -> memref<2048xf32, #tpu.memory_space<vmem>>
      tpu.enqueue_dma source(%dma_start3A_147 : memref<2048xf32, #tpu.memory_space<vmem>>) target(%dma_start3A_144 : memref<2048xf32, #tpu.memory_space<hbm>>) target_semaphore(%arg15 : memref<!tpu.dma_semaphore, #tpu.memory_space<semaphore_mem>>)
      %add3A_148 = arith.constant 4 : i32
      %add3A_149 = arith.addi %mul3A_71, %add3A_148 : i32
      %get3A_150 = arith.index_cast %add3A_149 : i32 to index
      %get3A_151 = memref.load %arg6[%get3A_150] : memref<1024xi32, #tpu.memory_space<smem>>
      %add3A_152 = arith.addi %mul3A_2, %mul3A_71 : i32
      %add3A_153 = arith.constant 4 : i32
      %add3A_154 = arith.addi %add3A_152, %add3A_153 : i32
      %dma_start3A_155 = arith.constant 0 : i32
      %dma_start3A_156 = tpu.memref_slice %arg13[%get3A_151, %dma_start3A_155] : memref<16x2048xf32, #tpu.memory_space<vmem>> -> memref<1x2048xf32, #tpu.memory_space<vmem>>
      %dma_start3A_157 = tpu.memref_squeeze %dma_start3A_156 : memref<1x2048xf32, #tpu.memory_space<vmem>> -> memref<2048xf32, #tpu.memory_space<vmem>>
      %dma_start3A_158 = arith.constant 0 : i32
      %dma_start3A_159 = tpu.memref_slice %arg5[%add3A_154, %dma_start3A_158] : memref<32768x2048xf32, #tpu.memory_space<hbm>> -> memref<1x2048xf32, #tpu.memory_space<hbm>>
      %dma_start3A_160 = tpu.memref_squeeze %dma_start3A_159 : memref<1x2048xf32, #tpu.memory_space<hbm>> -> memref<2048xf32, #tpu.memory_space<hbm>>
      %dma_start3A_161 = arith.constant 0 : i32
      %dma_start3A_162 = tpu.memref_slice %arg5[%add3A_154, %dma_start3A_161] : memref<32768x2048xf32, #tpu.memory_space<hbm>> -> memref<1x2048xf32, #tpu.memory_space<hbm>>
      %dma_start3A_163 = tpu.memref_squeeze %dma_start3A_162 : memref<1x2048xf32, #tpu.memory_space<hbm>> -> memref<2048xf32, #tpu.memory_space<hbm>>
      %dma_start3A_164 = arith.constant 0 : i32
      %dma_start3A_165 = tpu.memref_slice %arg13[%get3A_151, %dma_start3A_164] : memref<16x2048xf32, #tpu.memory_space<vmem>> -> memref<1x2048xf32, #tpu.memory_space<vmem>>
      %dma_start3A_166 = tpu.memref_squeeze %dma_start3A_165 : memref<1x2048xf32, #tpu.memory_space<vmem>> -> memref<2048xf32, #tpu.memory_space<vmem>>
      tpu.enqueue_dma source(%dma_start3A_166 : memref<2048xf32, #tpu.memory_space<vmem>>) target(%dma_start3A_163 : memref<2048xf32, #tpu.memory_space<hbm>>) target_semaphore(%arg15 : memref<!tpu.dma_semaphore, #tpu.memory_space<semaphore_mem>>)
      %add3A_167 = arith.constant 5 : i32
      %add3A_168 = arith.addi %mul3A_71, %add3A_167 : i32
      %get3A_169 = arith.index_cast %add3A_168 : i32 to index
      %get3A_170 = memref.load %arg6[%get3A_169] : memref<1024xi32, #tpu.memory_space<smem>>
      %add3A_171 = arith.addi %mul3A_2, %mul3A_71 : i32
      %add3A_172 = arith.constant 5 : i32
      %add3A_173 = arith.addi %add3A_171, %add3A_172 : i32
      %dma_start3A_174 = arith.constant 0 : i32
      %dma_start3A_175 = tpu.memref_slice %arg13[%get3A_170, %dma_start3A_174] : memref<16x2048xf32, #tpu.memory_space<vmem>> -> memref<1x2048xf32, #tpu.memory_space<vmem>>
      %dma_start3A_176 = tpu.memref_squeeze %dma_start3A_175 : memref<1x2048xf32, #tpu.memory_space<vmem>> -> memref<2048xf32, #tpu.memory_space<vmem>>
      %dma_start3A_177 = arith.constant 0 : i32
      %dma_start3A_178 = tpu.memref_slice %arg5[%add3A_173, %dma_start3A_177] : memref<32768x2048xf32, #tpu.memory_space<hbm>> -> memref<1x2048xf32, #tpu.memory_space<hbm>>
      %dma_start3A_179 = tpu.memref_squeeze %dma_start3A_178 : memref<1x2048xf32, #tpu.memory_space<hbm>> -> memref<2048xf32, #tpu.memory_space<hbm>>
      %dma_start3A_180 = arith.constant 0 : i32
      %dma_start3A_181 = tpu.memref_slice %arg5[%add3A_173, %dma_start3A_180] : memref<32768x2048xf32, #tpu.memory_space<hbm>> -> memref<1x2048xf32, #tpu.memory_space<hbm>>
      %dma_start3A_182 = tpu.memref_squeeze %dma_start3A_181 : memref<1x2048xf32, #tpu.memory_space<hbm>> -> memref<2048xf32, #tpu.memory_space<hbm>>
      %dma_start3A_183 = arith.constant 0 : i32
      %dma_start3A_184 = tpu.memref_slice %arg13[%get3A_170, %dma_start3A_183] : memref<16x2048xf32, #tpu.memory_space<vmem>> -> memref<1x2048xf32, #tpu.memory_space<vmem>>
      %dma_start3A_185 = tpu.memref_squeeze %dma_start3A_184 : memref<1x2048xf32, #tpu.memory_space<vmem>> -> memref<2048xf32, #tpu.memory_space<vmem>>
      tpu.enqueue_dma source(%dma_start3A_185 : memref<2048xf32, #tpu.memory_space<vmem>>) target(%dma_start3A_182 : memref<2048xf32, #tpu.memory_space<hbm>>) target_semaphore(%arg15 : memref<!tpu.dma_semaphore, #tpu.memory_space<semaphore_mem>>)
      %add3A_186 = arith.constant 6 : i32
      %add3A_187 = arith.addi %mul3A_71, %add3A_186 : i32
      %get3A_188 = arith.index_cast %add3A_187 : i32 to index
      %get3A_189 = memref.load %arg6[%get3A_188] : memref<1024xi32, #tpu.memory_space<smem>>
      %add3A_190 = arith.addi %mul3A_2, %mul3A_71 : i32
      %add3A_191 = arith.constant 6 : i32
      %add3A_192 = arith.addi %add3A_190, %add3A_191 : i32
      %dma_start3A_193 = arith.constant 0 : i32
      %dma_start3A_194 = tpu.memref_slice %arg13[%get3A_189, %dma_start3A_193] : memref<16x2048xf32, #tpu.memory_space<vmem>> -> memref<1x2048xf32, #tpu.memory_space<vmem>>
      %dma_start3A_195 = tpu.memref_squeeze %dma_start3A_194 : memref<1x2048xf32, #tpu.memory_space<vmem>> -> memref<2048xf32, #tpu.memory_space<vmem>>
      %dma_start3A_196 = arith.constant 0 : i32
      %dma_start3A_197 = tpu.memref_slice %arg5[%add3A_192, %dma_start3A_196] : memref<32768x2048xf32, #tpu.memory_space<hbm>> -> memref<1x2048xf32, #tpu.memory_space<hbm>>
      %dma_start3A_198 = tpu.memref_squeeze %dma_start3A_197 : memref<1x2048xf32, #tpu.memory_space<hbm>> -> memref<2048xf32, #tpu.memory_space<hbm>>
      %dma_start3A_199 = arith.constant 0 : i32
      %dma_start3A_200 = tpu.memref_slice %arg5[%add3A_192, %dma_start3A_199] : memref<32768x2048xf32, #tpu.memory_space<hbm>> -> memref<1x2048xf32, #tpu.memory_space<hbm>>
      %dma_start3A_201 = tpu.memref_squeeze %dma_start3A_200 : memref<1x2048xf32, #tpu.memory_space<hbm>> -> memref<2048xf32, #tpu.memory_space<hbm>>
      %dma_start3A_202 = arith.constant 0 : i32
      %dma_start3A_203 = tpu.memref_slice %arg13[%get3A_189, %dma_start3A_202] : memref<16x2048xf32, #tpu.memory_space<vmem>> -> memref<1x2048xf32, #tpu.memory_space<vmem>>
      %dma_start3A_204 = tpu.memref_squeeze %dma_start3A_203 : memref<1x2048xf32, #tpu.memory_space<vmem>> -> memref<2048xf32, #tpu.memory_space<vmem>>
      tpu.enqueue_dma source(%dma_start3A_204 : memref<2048xf32, #tpu.memory_space<vmem>>) target(%dma_start3A_201 : memref<2048xf32, #tpu.memory_space<hbm>>) target_semaphore(%arg15 : memref<!tpu.dma_semaphore, #tpu.memory_space<semaphore_mem>>)
      %add3A_205 = arith.constant 7 : i32
      %add3A_206 = arith.addi %mul3A_71, %add3A_205 : i32
      %get3A_207 = arith.index_cast %add3A_206 : i32 to index
      %get3A_208 = memref.load %arg6[%get3A_207] : memref<1024xi32, #tpu.memory_space<smem>>
      %add3A_209 = arith.addi %mul3A_2, %mul3A_71 : i32
      %add3A_210 = arith.constant 7 : i32
      %add3A_211 = arith.addi %add3A_209, %add3A_210 : i32
      %dma_start3A_212 = arith.constant 0 : i32
      %dma_start3A_213 = tpu.memref_slice %arg13[%get3A_208, %dma_start3A_212] : memref<16x2048xf32, #tpu.memory_space<vmem>> -> memref<1x2048xf32, #tpu.memory_space<vmem>>
      %dma_start3A_214 = tpu.memref_squeeze %dma_start3A_213 : memref<1x2048xf32, #tpu.memory_space<vmem>> -> memref<2048xf32, #tpu.memory_space<vmem>>
      %dma_start3A_215 = arith.constant 0 : i32
      %dma_start3A_216 = tpu.memref_slice %arg5[%add3A_211, %dma_start3A_215] : memref<32768x2048xf32, #tpu.memory_space<hbm>> -> memref<1x2048xf32, #tpu.memory_space<hbm>>
      %dma_start3A_217 = tpu.memref_squeeze %dma_start3A_216 : memref<1x2048xf32, #tpu.memory_space<hbm>> -> memref<2048xf32, #tpu.memory_space<hbm>>
      %dma_start3A_218 = arith.constant 0 : i32
      %dma_start3A_219 = tpu.memref_slice %arg5[%add3A_211, %dma_start3A_218] : memref<32768x2048xf32, #tpu.memory_space<hbm>> -> memref<1x2048xf32, #tpu.memory_space<hbm>>
      %dma_start3A_220 = tpu.memref_squeeze %dma_start3A_219 : memref<1x2048xf32, #tpu.memory_space<hbm>> -> memref<2048xf32, #tpu.memory_space<hbm>>
      %dma_start3A_221 = arith.constant 0 : i32
      %dma_start3A_222 = tpu.memref_slice %arg13[%get3A_208, %dma_start3A_221] : memref<16x2048xf32, #tpu.memory_space<vmem>> -> memref<1x2048xf32, #tpu.memory_space<vmem>>
      %dma_start3A_223 = tpu.memref_squeeze %dma_start3A_222 : memref<1x2048xf32, #tpu.memory_space<vmem>> -> memref<2048xf32, #tpu.memory_space<vmem>>
      tpu.enqueue_dma source(%dma_start3A_223 : memref<2048xf32, #tpu.memory_space<vmem>>) target(%dma_start3A_220 : memref<2048xf32, #tpu.memory_space<hbm>>) target_semaphore(%arg15 : memref<!tpu.dma_semaphore, #tpu.memory_space<semaphore_mem>>)
      %dma_wait3A_224 = arith.constant 0 : i32
      %dma_wait3A_225 = arith.constant 0 : i32
      %dma_wait3A_226 = tpu.memref_slice %arg13[%dma_wait3A_224, %dma_wait3A_225] : memref<16x2048xf32, #tpu.memory_space<vmem>> -> memref<8x2048xf32, #tpu.memory_space<vmem>>
      %dma_wait3A_227 = arith.constant 0 : i32
      %dma_wait3A_228 = tpu.memref_slice %arg5[%mul3A_2, %dma_wait3A_227] : memref<32768x2048xf32, #tpu.memory_space<hbm>> -> memref<8x2048xf32, #tpu.memory_space<hbm>>
      %dma_wait3A_229 = arith.constant 0 : i32
      %dma_wait3A_230 = tpu.memref_slice %arg5[%mul3A_2, %dma_wait3A_229] : memref<32768x2048xf32, #tpu.memory_space<hbm>> -> memref<8x2048xf32, #tpu.memory_space<hbm>>
      %dma_wait3A_231 = arith.constant 0 : i32
      %dma_wait3A_232 = arith.constant 0 : i32
      %dma_wait3A_233 = tpu.memref_slice %arg13[%dma_wait3A_231, %dma_wait3A_232] : memref<16x2048xf32, #tpu.memory_space<vmem>> -> memref<8x2048xf32, #tpu.memory_space<vmem>>
      tpu.wait_dma2 semaphore(%arg15 : memref<!tpu.dma_semaphore, #tpu.memory_space<semaphore_mem>>) src(%dma_wait3A_233 : memref<8x2048xf32, #tpu.memory_space<vmem>>) dst(%dma_wait3A_230 : memref<8x2048xf32, #tpu.memory_space<hbm>>)
    }
    %scan3A_62 = arith.constant 126 : i32
    %scan3A_63 = arith.constant 0 : i32
    %scan3A_64 = arith.constant 0 : i32
    %scan3A_65 = arith.constant 2 : i32
    %scan3A_66 = arith.addi %scan3A_64, %scan3A_65 : i32
    %scan3A_67 = arith.constant 1 : i32
    scf.for %scan3A_69 = %scan3A_64 to %scan3A_66 step %scan3A_67  : i32 {
      %dma_wait3A_70 = arith.constant 0 : i32
      %dma_wait3A_71 = arith.constant 0 : i32
      %dma_wait3A_72 = tpu.memref_slice %arg13[%dma_wait3A_70, %dma_wait3A_71] : memref<16x2048xf32, #tpu.memory_space<vmem>> -> memref<8x2048xf32, #tpu.memory_space<vmem>>
      %dma_wait3A_73 = arith.constant 0 : i32
      %dma_wait3A_74 = tpu.memref_slice %arg5[%mul3A_2, %dma_wait3A_73] : memref<32768x2048xf32, #tpu.memory_space<hbm>> -> memref<8x2048xf32, #tpu.memory_space<hbm>>
      %dma_wait3A_75 = arith.constant 0 : i32
      %dma_wait3A_76 = tpu.memref_slice %arg5[%mul3A_2, %dma_wait3A_75] : memref<32768x2048xf32, #tpu.memory_space<hbm>> -> memref<8x2048xf32, #tpu.memory_space<hbm>>
      %dma_wait3A_77 = arith.constant 0 : i32
      %dma_wait3A_78 = arith.constant 0 : i32
      %dma_wait3A_79 = tpu.memref_slice %arg13[%dma_wait3A_77, %dma_wait3A_78] : memref<16x2048xf32, #tpu.memory_space<vmem>> -> memref<8x2048xf32, #tpu.memory_space<vmem>>
      tpu.wait_dma2 semaphore(%arg15 : memref<!tpu.dma_semaphore, #tpu.memory_space<semaphore_mem>>) src(%dma_wait3A_79 : memref<8x2048xf32, #tpu.memory_space<vmem>>) dst(%dma_wait3A_76 : memref<8x2048xf32, #tpu.memory_space<hbm>>)
    }
    %scan3A_68 = arith.constant 2 : i32
    return
  }
}

</mosaic_0001>

<sc_bundles>
// kernel: kernel.3.cloned.1.call-start
scs
__scs_entry_jumppad:
0x0: {  	(pc) =	sbr.rel $0x88, $3  }
0x1: {  	(tag) =	ssettag $0x0;
	lr =	simm.s32 $0x1  }
0x2: {  	[smem:$0x3F9E] =	sst lr;
	_ =	strace $0xD0000000  }
0x3: {  	_ = 	snop  }
0x4: {  	_ = 	snop  }
0x5: {  	_ = 	snop  }
0x6: {  	_ = 	snop  }
0x7: {  	_ = 	snop  }
__scs_overlays_trampoline_lowered:
0x8: {  	[smem:$0x3FAD] =	sst s0  }
0x9: {  	[smem:$0x3FAE] =	sst s1  }
0xa: {  	[smem:$0x3FAF] =	sst s2  }
0xb: {  	[smem:$0x3FB0] =	sst s3  }
0xc: {  	[smem:$0x3FB1] =	sst s4  }
0xd: {  	[smem:$0x3FB2] =	sst s5  }
0xe: {  	[smem:$0x3FB3] =	sst s6  }
0xf: {  	[smem:$0x3FB4] =	sst s7  }
0x10: {  	[smem:$0x3FB5] =	sst s8  }
0x11: {  	[smem:$0x3FB6] =	sst s9;
	s0 =	simm.s32 @!p0 $0x0  }
0x12: {  	s1 =	sld [smem:$0x3F9C];
	s0 =	simm.s32 @p0 $0x1  }
0x13: {  	[smem:$0x3FB7] =	sst s0;
	s0 =	simm.s32 @!p1 $0x0  }
0x14: {  	s2 =	sld [smem:$0x3F9B];
	s0 =	simm.s32 @p1 $0x1  }
0x15: {  	[smem:$0x3FB8] =	sst s0;
	s0 =	simm.s32 @!p2 $0x0  }
0x16: {  	s3 =	sld [smem:$0x3FDB];
	s0 =	simm.s32 @p2 $0x1  }
0x17: {  	s4 =	simm.s32 $0x1BF5;
	[smem:$0x3FBA] =	sst s0  }
0x18: {  	s0 =	sld [smem:$0x3F9D];
	_ =	swait.ge [sflag:s4], $0x0  }
0x19: {  	s7 =	sld [smem:$0x3F9E]  }
0x1a: {  	s8 =	sadd.s32 $0xFFFFE003, lr  }
0x1b: {  	s9 =	sadd.s32 $0xFFFFFEF7, lr;
	s5 =	simm.s32 $0xFFFFFFFF;
	p2 =	slt.u32 s8, $0xFFFFF086  }
0x1c: {  	p1 =	slt.u32 s9, $0xF7A;
	s5 =	simm.s32 @!p2 $0x0  }
0x1d: {  	s5 =	simm.s32 @p1 $0x1;
	p0 =	seq.s32 s7, s2  }
0x1e: {  	s7 =	smul.u32 @!p0 $0xF7A, s2;
	p2 =	seq.s32 @!p0 s5, $0x0  }
0x1f: {  	s9 =	smul.u32 $0xF7A, s1;
	s8 =	simm.s32 @!p0 $0x1BF5;
	p2 =	por !p2, p0  }
0x20: {  	[sflag:s8] =	ssyncset.s32 @!p0 $0xFFFFF086;
	s6 =	sadd.s32 @!p0 s3, s7;
	s7 =	simm.s32 @!p0 $0x108  }
0x21: {  	s3 =	sadd.s32 s3, s9;
	s6 =	sadd.s32 @!p0 $0x88, s6;
	s7 =	simm.s32 @p2 $0x1082  }
0x22: {  	[simem:s7], [sflag:s8] =	dma.local @!p0 [hbm:s6], $0xF7A  }
0x23: {  	s9 =	sor.u32 $0xD0000000, s2;
	s6 =	simm.s32 $0x108;
	_ =	swait.ge @!p0 [sflag:s8], $0x0  }
0x24: {  	s3 =	sadd.s32 $0x88, s3;
	s6 =	simm.s32 @!p1 $0x1082;
	[sflag:s4] =	ssyncset.s32 $0xFFFFF086  }
0x25: {  	[simem:s6], [sflag:s4] =	dma.local [hbm:s3], $0xF7A  }
0x26: {  	[smem:$0x3F9E] =	sst s1;
	(tag) =	ssettag s2;
	_ =	strace s9  }
0x27: {  	s1 =	sld [smem:$0x3FAE]  }
0x28: {  	s2 =	sld [smem:$0x3FAF]  }
0x29: {  	s4 =	sld [smem:$0x3FB1]  }
0x2a: {  	p0 =	seq.s32 s5, $0x0;
	s5 =	sld [smem:$0x3FB2]  }
0x2b: {  	s6 =	sld [smem:$0x3FB3]  }
0x2c: {  	s7 =	sld [smem:$0x3FB4]  }
0x2d: {  	s3 =	simm.s32 $0x108;
	s8 =	sld [smem:$0x3FB5]  }
0x2e: {  	s3 =	simm.s32 @!p0 $0x1082;
	s9 =	sld [smem:$0x3FB6]  }
0x2f: {  	lr =	sadd.s32 s0, s3;
	s0 =	sld [smem:$0x3FAD]  }
0x30: {  	s3 =	sld [smem:$0x3FB0]  }
0x31: {  	[smem:$0x3FB9] =	sst s10  }
0x32: {  	s10 =	sld [smem:$0x3FB7];
	_ =	sdelay $0x3  }
0x33: {  	p0 =	seq.s32 s10, $0x1;
	s10 =	sld [smem:$0x3FB9];
	_ =	sdelay $0x3  }
0x34: {  	[smem:$0x3FB9] =	sst s10  }
0x35: {  	s10 =	sld [smem:$0x3FB8];
	_ =	sdelay $0x3  }
0x36: {  	p1 =	seq.s32 s10, $0x1;
	s10 =	sld [smem:$0x3FB9];
	_ =	sdelay $0x3  }
0x37: {  	[smem:$0x3FB9] =	sst s10  }
0x38: {  	s10 =	sld [smem:$0x3FBA]  }
0x39: {  	_ = 	snop;
	(pc) =	sbr.ind lr, $3  }
0x3a: {  	_ = 	snop  }
0x3b: {  	_ = 	snop  }
0x3c: {  	p2 =	seq.s32 s10, $0x1;
	s10 =	sld [smem:$0x3FB9]  }
0x3d: {  	_ =	shalt  }
0x3e: {  	_ =	shalt  }
0x3f: {  	_ =	shalt  }
0x40: {  	_ =	shalt  }
0x41: {  	_ =	shalt  }
0x42: {  	_ =	shalt  }
0x43: {  	_ =	shalt  }
0x44: {  	_ =	shalt  }
0x45: {  	_ =	shalt  }
0x46: {  	_ =	shalt  }
0x47: {  	_ =	shalt  }
0x48: {  	_ =	shalt  }
0x49: {  	_ =	shalt  }
0x4a: {  	_ =	shalt  }
0x4b: {  	_ =	shalt  }
0x4c: {  	_ =	shalt  }
0x4d: {  	_ =	shalt  }
0x4e: {  	_ =	shalt  }
0x4f: {  	_ =	shalt  }
0x50: {  	_ =	shalt  }
0x51: {  	_ =	shalt  }
0x52: {  	_ =	shalt  }
0x53: {  	_ =	shalt  }
0x54: {  	_ =	shalt  }
0x55: {  	_ =	shalt  }
0x56: {  	_ =	shalt  }
0x57: {  	_ =	shalt  }
0x58: {  	_ =	shalt  }
0x59: {  	_ =	shalt  }
0x5a: {  	_ =	shalt  }
0x5b: {  	_ =	shalt  }
0x5c: {  	_ =	shalt  }
0x5d: {  	_ =	shalt  }
0x5e: {  	_ =	shalt  }
0x5f: {  	_ =	shalt  }
0x60: {  	_ =	shalt  }
0x61: {  	_ =	shalt  }
0x62: {  	_ =	shalt  }
0x63: {  	_ =	shalt  }
0x64: {  	_ =	shalt  }
0x65: {  	_ =	shalt  }
0x66: {  	_ =	shalt  }
0x67: {  	_ =	shalt  }
0x68: {  	_ =	shalt  }
0x69: {  	_ =	shalt  }
0x6a: {  	_ =	shalt  }
0x6b: {  	_ =	shalt  }
0x6c: {  	_ =	shalt  }
0x6d: {  	_ =	shalt  }
0x6e: {  	_ =	shalt  }
0x6f: {  	_ =	shalt  }
0x70: {  	_ =	shalt  }
0x71: {  	_ =	shalt  }
0x72: {  	_ =	shalt  }
0x73: {  	_ =	shalt  }
0x74: {  	_ =	shalt  }
0x75: {  	_ =	shalt  }
0x76: {  	_ =	shalt  }
0x77: {  	_ =	shalt  }
0x78: {  	_ =	shalt  }
0x79: {  	_ =	shalt  }
0x7a: {  	_ =	shalt  }
0x7b: {  	_ =	shalt  }
0x7c: {  	_ =	shalt  }
0x7d: {  	_ =	shalt  }
0x7e: {  	_ =	shalt  }
0x7f: {  	_ =	shalt  }
0x80: {  	_ =	shalt  }
0x81: {  	_ =	shalt  }
0x82: {  	_ =	shalt  }
0x83: {  	_ =	shalt  }
0x84: {  	_ =	shalt  }
0x85: {  	_ =	shalt  }
0x86: {  	_ =	shalt  }
0x87: {  	_ =	shalt  }
.Lfunc_end0:
.L_simem_size_0:
called_computation_lowered:
.L_overlay_start_0:
0x88: {  	s2 =	sld [smem:$0x3FD9]  }
0x89: {  	s3 =	sld [smem:$0x3FFE];
	_ =	sdelay $0x1  }
0x8a: {  	s1 =	srdreg.scid  }
0x8b: {  	s0 =	sand.u32 $0x1, s1  }
0x8c: {  	s17 =	sshll.u32 s0, $0xA;
	s2 =	sadd.s32 s3, s2  }
0x8d: {  	s2 =	sadd.s32 s2, s17  }
0x8e: {  	[smem:$0x3FC5] =	sst s2  }
0x8f: {  	_ = 	snop  }
0x90: {  	s2 =	sld [smem:$0x3FC8]  }
0x91: {  	s18 =	sld [smem:$0x3FC7]  }
0x92: {  	s4 =	sld [smem:$0x3FD0];
	(tm) =	ssettm $0x1  }
0x93: {  	s5 =	sld [smem:$0x3FFB];
	_ =	sdelay $0x3  }
0x94: {  	_ =	strace s5  }
0x95: {  	s5 =	sld [smem:$0x3FFC];
	_ =	sdelay $0x3  }
0x96: {  	_ =	strace s5  }
0x97: {  	s5 =	sld [smem:$0x3FFD];
	_ =	sdelay $0x3  }
0x98: {  	_ =	strace s5  }
0x99: {  	_ =	strace $0x8FFFFFFF  }
0x9a: {  	s19 =	sld [smem:$0x3FDB];
	_ =	sdelay $0x1  }
0x9b: {  	s6 =	simm.s32 $_scs_section_size  }
0x9c: {  	s7 =	simm.s32 $_size__tile_overlayer_lowered;
	s8 =	simm.s32 $_tile_overlayer_lowered  }
0x9d: {  	s22 =	simm.s32 $0x1BFF;
	s21 =	sshll.u32 s8, $0x1;
	s5 =	sadd.s32 s6, s19  }
0x9e: {  	s9 =	simm.s32 $0x0;
	s20 =	sshll.u32 s7, $0x1;
	s7 =	sadd.s32 s21, s5  }
0x9f: {  	[timem:s9], [sflag:s22] =	dma.local [hbm:s7], s20  }
0xa0: {  	_ =	swait.ge [sflag:s22], s20  }
0xa1: {  	s6 =	ssub.s32 $0x0, s20;
	[sflag:s22] =	ssyncset.done $0x0  }
0xa2: {  	[sflag:s22] =	ssyncadd.s32 s6;
	_ =	sdelay $0x1  }
0xa3: {  	s23 =	simm.s32 $0x1B8B  }
0xa4: {  	_ =	swait.ge [sflag:s23], $0x1  }
0xa5: {  	[sflag:s23] =	ssyncset.done $0x0  }
0xa6: {  	s25 =	simm.s32 $0x1B8E;
	s24 =	sld [smem:$0x3FFE];
	[sflag:s23] =	ssyncadd.s32 $0xFFFFFFFF  }
0xa7: {  	s26 =	simm.s32 $execute0_lowered;
	[smem:$0x3FD2] =	sst s25  }
0xa8: {  	s7 =	sshll.u32 s26, $0x1;
	_ =	strace $0x80000046;
	[dreg:$0x1] =	wrdreg $0xFFFFFFFF  }
0xa9: {  	s28 =	simm.s32 $_size_execute0_lowered;
	s5 =	sadd.s32 s5, s7;
	[dreg:$0x0] =	wrdreg $0x0  }
0xaa: {  	s7 =	sshll.u32 s28, $0x1;
	[dreg:$0x2] =	wrdreg s5  }
0xab: {  	[dreg:$0x3] =	wrdreg s7  }
0xac: {  	[dreg:$0x4] =	wrdreg $0xC0  }
0xad: {  	_ =	task [dreg:s9], $0x5FFFF  }
0xae: {  	[dreg:$0x1] =	wrdreg $0xFFFFFFFF  }
0xaf: {  	[dreg:$0x0] =	wrdreg $0x60  }
0xb0: {  	[dreg:$0x2] =	wrdreg s24  }
0xb1: {  	[dreg:$0x3] =	wrdreg s2  }
0xb2: {  	[dreg:$0x4] =	wrdreg s18  }
0xb3: {  	[dreg:$0x5] =	wrdreg s4  }
0xb4: {  	[dreg:$0x6] =	wrdreg $0x4000  }
0xb5: {  	[dreg:$0x7] =	wrdreg $0x0  }
0xb6: {  	[dreg:$0x8] =	wrdreg $0x4100  }
0xb7: {  	[dreg:$0x9] =	wrdreg $0x9  }
0xb8: {  	_ =	task.clear_ibuf [dreg:s9], $0xAFFFF;
	_ =	strace $0x90000046  }
0xb9: {  	s29 =	simm.s32 $0x9;
	_ =	strace $0x80000048  }
0xba: {  	_ =	swait.ge [sflag:s29], $0x1  }
0xbb: {  	[sflag:s29] =	ssyncadd.s32 $0xFFFFFFFF  }
0xbc: {  	_ =	strace $0x90000048  }
0xbd: {  	_ =	sfence  }
0xbe: {  	s30 =	sld [smem:$0x0];
	_ =	sdelay $0x2  }
0xbf: {  	s31 =	sshll.u32 s1, $0xD;
	s1 =	sshrl.u32 s1, $0x2  }
0xc0: {  	s3 =	sand.u32 $0x4000, s31;
	s1 =	sadd.s32 s1, s30  }
0xc1: {  	s0 =	sor.u32 s3, s0;
	s1 =	sshll.u32 s1, $0x11  }
0xc2: {  	s0 =	sor.u32 s1, s0  }
0xc3: {  	s0 =	sadd.s32 $0x8F2B, s0  }
0xc4: {  	[sflag:s0] =	ssyncadd.remote.s32 $0x1  }
0xc5: {  	_ =	sfence.sel $0xFFFF  }
0xc6: {  	[dreg:$0x0] =	wrdreg $0xFFFFFFFF;
	(pc) =	sbr.abs _section_cstart, $3  }
0xc7: {  	[dreg:$0x1] =	wrdreg $0xFFFFFFFF  }
0xc8: {  	_ =	task.clear_ibuf [dreg:s9], $0x2FFFF;
	_ =	strace $0x9FFFFFFF  }
0xc9: {  	(tm) =	ssettm $0x7FFFFFFF  }
tec
execute0_lowered:
.L_overlay_start_1:
0x0: {  	(tag) =	ssettag $0x1  }
0x1: {  	s0 =	rddreg [dreg:$0x0]  }
0x2: {  	s13 =	rddreg [dreg:$0x1]  }
0x3: {  	s3 =	rddreg [dreg:$0x3]  }
0x4: {  	s1 =	rddreg [dreg:$0x4]  }
0x5: {  	s2 =	rddreg [dreg:$0x5]  }
0x6: {  	s21 =	rddreg [dreg:$0x6]  }
0x7: {  	s4 =	srdreg.scid;
	s20 =	stileid.u32  }
0x8: {  	s6 =	simm.s32 $0x0;
	s4 =	sand.u32 $0x1, s4;
	s5 =	sshll.u32 s20, $0xB  }
0x9: {  	[smem:$0x7FF] =	sst s6;
	s9 =	sshll.u32 s20, $0xA;
	s10 =	sshll.u32 s20, $0x7  }
0xa: {  	s14 =	sadd.s32 $0x10, s3;
	s15 =	sadd.s32 $0x20, s3;
	s16 =	sadd.s32 $0x30, s3  }
0xb: {  	s17 =	sadd.s32 $0x40, s3;
	s18 =	sadd.s32 $0x50, s3;
	s19 =	sadd.s32 $0x60, s3  }
0xc: {  	s22 =	sadd.s32 $0x400, s13;
	s31 =	sadd.s32 $0x2000, s21;
	s13 =	simm.s32 $0x4  }
0xd: {  	s7 =	sshll.u32 s4, $0xA;
	_ =	strace $0x80000047;
	s8 =	ssub.s32 $0x2, s4  }
0xe: {  	s9 =	sor.u32 s10, s9;
	s12 =	sadd.s32 s10, s1;
	s10 =	sshll.u32 s4, $0x12  }
0xf: {  	[dreg:$0xd] =	wrdreg s22;
	s4 =	simm.s32 $0x400;
	s7 =	sor.u32 s7, s5  }
0x10: {  	s26 =	sshrl.u32 s8, $0x1;
	s11 =	sand.u32 $0x2380, s9;
	s5 =	sshrl.u32 s7, $0x3  }
0x11: {  	s9 =	sadd.s32 s11, s2;
	s1 =	sadd.s32 s11, s21;
	s2 =	sshll.u32 s20, $0x13  }
0x12: {  	s21 =	simm.s32 $0x0;
	s0 =	sadd.s32 s5, s0;
	s5 =	ssub.s32 s8, s26  }
0x13: {  	s8 =	sshll.u32 s20, $0x6;
	[dreg:$0xb] =	wrdreg s1;
	s23 =	sadd.s32 $0x400, s9  }
0x14: {  	s20 =	sadd.s32 $0x70, s3;
	s24 =	sadd.s32 $0x800, s9;
	[dreg:$0xe] =	wrdreg s23  }
0x15: {  	s25 =	sadd.s32 $0xC00, s9;
	s26 =	sadd.s32 $0x1000, s9;
	[dreg:$0xf] =	wrdreg s24  }
0x16: {  	s29 =	sadd.s32 $0x1800, s9;
	s30 =	sadd.s32 $0x1C00, s9;
	[dreg:$0x10] =	wrdreg s25  }
0x17: {  	s1 =	simm.s32 $0x1;
	s0 =	sadd.s32 $0x400, s0;
	[dreg:$0x11] =	wrdreg s26  }
0x18: {  	s28 =	sor.u32 $0x1C01, s8;
	s11 =	smax.u32 s5, $0x1;
	[dreg:$0x9] =	wrdreg s0  }
0x19: {  	v0 =	vlaneseq.u32;
	s5 =	simm.s32 $0x2;
	s25 =	simm.s32 $0xC10;
	[dreg:$0xa] =	wrdreg s28  }
0x1a: {  	v0 =	vmul.u32 $0xFFFFFFFF, v0;
	s0 =	sadd.s32 s2, s3;
	[dreg:$0xc] =	wrdreg s11;
	s28 =	sadd.s32 $0x1400, s9  }
0x1b: {  	s2 =	simm.s32 $0x80;
	s0 =	sadd.s32 s10, s0;
	[dreg:$0x12] =	wrdreg s28  }
0x1c: {  	v0 =	vadd.s32 $0xF, v0;
	s11 =	simm.s32 $0x3;
	[dreg:$0x8] =	wrdreg s0;
	s0 =	simm.s32 $0x5  }
.LBB2_1:
0x1d: {  	s10 =	rddreg [dreg:$0x9]  }
0x1e: {  	s22 =	sshrl.u32 s9, $0x3;
	s23 =	rddreg [dreg:$0xa];
	s24 =	simm.s32 $0x10  }
0x1f: {  	[spmem:s22@s2], [sflag:s23] =	dma.strided [hbm:s10@s24], $0x80, s1, $0x10   }
0x20: {  	s26 =	sor.u32 $0x1C02, s8;
	s28 =	sshrl.u32 s12, $0x3;
	s10 =	rddreg [dreg:$0x2]  }
0x21: {  	[spmem:s28], [sflag:s26] =	dma.local [hbm:s10], $0x10  }
0x22: {  	s24 =	simm.s32 $0x1010;
	s10 =	rddreg [dreg:$0x1]  }
0x23: {  	[tilespmem:s24], [sflag:$0x3] =	stream.linear.gather [hbm4b:s10+s6], $0x2000, $0x38;
	[tilespmem:$0x9010] =	vst v63  }
0x24: {  	s28 =	simm.s32 $0x5010;
	s26 =	rddreg [dreg:$0xd]  }
0x25: {  	[tilespmem:s28], [sflag:$0x3] =	stream.linear.gather [hbm4b:s26+s6], $0x2000, $0x38;
	[tilespmem:$0x9010] =	vst v63  }
0x26: {  	_ =	swait.ge [sflag:s5], $0x10  }
0x27: {  	[sflag:s5] =	ssyncset.done $0x0  }
0x28: {  	[sflag:s5] =	ssyncadd.s32 $0xFFFFFFF0  }
0x29: {  	[smem:s4], [sflag:$0x5] =	stream.linear.gather [spmem:s12], $0x80, $0x38;
	[tilespmem:$0x9010] =	vst v63  }
0x2a: {  	_ =	swait.ge [sflag:s0], $0x80  }
0x2b: {  	s23 =	stileid.u32;
	[sflag:s0] =	ssyncset.done $0x0  }
0x2c: {  	s22 =	sor.u32 $0x400, s23;
	[sflag:s0] =	ssyncadd.s32 $0xFFFFFF80  }
0x2d: {  	s22 =	sld [smem:s22+$0x0];
	_ =	sdelay $0x2  }
0x2e: {  	s24 =	sshll.u32 s22, $0xA;
	s22 =	sshll.u32 s22, $0x7  }
0x2f: {  	s23 =	sand.u32 $0xFFFFE000, s24;
	s22 =	sand.u32 $0x380, s22  }
0x30: {  	s22 =	sor.u32 s22, s23  }
0x31: {  	s22 =	sshrl.u32 s22, $0x3  }
0x32: {  	s26 =	simm.s32 $0x810;
	s22 =	sadd.s32 s10, s22  }
0x33: {  	[tilespmem:s26], [sflag:$0x5] =	stream.strided.gather [hbm4b:s22+s2], $0x400, s4, s2, $0x38;
	[tilespmem:$0x9010] =	vst v63  }
0x34: {  	_ =	swait.ge [sflag:s0], $0x400  }
0x35: {  	[sflag:s0] =	ssyncset.done $0x0  }
0x36: {  	s28 =	simm.s32 $0x3F0;
	[sflag:s0] =	ssyncadd.s32 $0xFFFFFC00  }
0x37: {  	v1 =	vld [tilespmem:s28+$0x810];
	_ =	sdelay $0x4  }
0x38: {  	v1 =	vperm.xlane v1, v0;
	_ =	sdelay $0x1  }
0x39: {  	s24 =	simm.s32 $0x3E0;
	s23 =	simm.s32 $0xF40;
	s22 =	simm.s32 $0xC10;
	[tilespmem:s25+$0x0] =	vst v1  }
.LBB2_2:
0x3a: {  	p0 =	sne.s32 s23, $0x0;
	v1 =	vld [tilespmem:s24+$0x810];
	_ =	sdelay $0x2  }
.Ltmp0:
0x3b: {  	(pc) =	sbr.rel @p0 .LBB2_2-.Ltmp0, $4  }
0x3c: {  	_ = 	snop  }
0x3d: {  	v1 =	vperm.xlane v1, v0  }
0x3e: {  	s22 =	sadd.s32 $0x10, s22  }
0x3f: {  	s24 =	sshra.s32 s23, $0x2;
	s23 =	sadd.s32 $0xFFFFFFC0, s23;
	[tilespmem:s22+$0x0] =	vst v1  }
0x40: {  	v1 =	vld [tilespmem:s24+$0x810];
	_ =	sdelay $0x4  }
0x41: {  	v1 =	vperm.xlane v1, v0  }
0x42: {  	s22 =	sadd.s32 $0x10, s22  }
0x43: {  	s10 =	rddreg [dreg:$0xb];
	[tilespmem:s22+$0x0] =	vst v1  }
0x44: {  	[spmem:s10] =	stream.strided.scatter [tilespmem:s25], [sflag:$0x5], $0x400, s4, s2, $0x38;
	[tilespmem:$0x9010] =	vst v63  }
0x45: {  	_ =	swait.ge [sflag:s0], $0x400  }
0x46: {  	[sflag:s0] =	ssyncset.done $0x0  }
0x47: {  	[sflag:s0] =	ssyncadd.s32 $0xFFFFFC00  }
0x48: {  	_ =	swait.ge [sflag:s1], $0x80  }
0x49: {  	[sflag:s1] =	ssyncset.done $0x0  }
0x4a: {  	s22 =	simm.s32 $0x0;
	[sflag:s1] =	ssyncadd.s32 $0xFFFFFF80  }
0x4b: {  	[smem:s22], [sflag:$0x5] =	stream.linear.gather [spmem:s9], $0x80, $0x38;
	[tilespmem:$0x9010] =	vst v63  }
0x4c: {  	s24 =	rddreg [dreg:$0xe]  }
0x4d: {  	[smem:s2], [sflag:$0x5] =	stream.linear.gather [spmem:s24], $0x80, $0x38;
	[tilespmem:$0x9010] =	vst v63  }
0x4e: {  	s23 =	simm.s32 $0x100;
	s10 =	rddreg [dreg:$0xf]  }
0x4f: {  	[smem:s23], [sflag:$0x5] =	stream.linear.gather [spmem:s10], $0x80, $0x38;
	[tilespmem:$0x9010] =	vst v63  }
0x50: {  	s25 =	simm.s32 $0x180;
	s10 =	rddreg [dreg:$0x10]  }
0x51: {  	[smem:s25], [sflag:$0x5] =	stream.linear.gather [spmem:s10], $0x80, $0x38;
	[tilespmem:$0x9010] =	vst v63  }
0x52: {  	s26 =	simm.s32 $0x200;
	s10 =	rddreg [dreg:$0x11]  }
0x53: {  	[smem:s26], [sflag:$0x5] =	stream.linear.gather [spmem:s10], $0x80, $0x38;
	[tilespmem:$0x9010] =	vst v63  }
0x54: {  	s28 =	simm.s32 $0x280;
	s10 =	rddreg [dreg:$0x12]  }
0x55: {  	[smem:s28], [sflag:$0x5] =	stream.linear.gather [spmem:s10], $0x80, $0x38;
	[tilespmem:$0x9010] =	vst v63  }
0x56: {  	s23 =	simm.s32 $0x300  }
0x57: {  	[smem:s23], [sflag:$0x5] =	stream.linear.gather [spmem:s29], $0x80, $0x38;
	[tilespmem:$0x9010] =	vst v63  }
0x58: {  	s24 =	simm.s32 $0x380  }
0x59: {  	[smem:s24], [sflag:$0x5] =	stream.linear.gather [spmem:s30], $0x80, $0x38;
	[tilespmem:$0x9010] =	vst v63  }
0x5a: {  	_ =	swait.ge [sflag:s0], $0x400  }
0x5b: {  	[sflag:s0] =	ssyncset.done $0x0  }
0x5c: {  	[sflag:s0] =	ssyncadd.s32 $0xFFFFFC00  }
0x5d: {  	_ =	swait.ge [sflag:s11], $0x4000  }
0x5e: {  	[sflag:s11] =	ssyncset.done $0x0  }
0x5f: {  	[sflag:s11] =	ssyncadd.s32 $0xFFFFC000  }
0x60: {  	[bflag:$0x0] =	sbarrier.arrive $0xFFFF  }
0x61: {  	s26 =	simm.s32 $0x3010;
	s25 =	rddreg [dreg:$0x6]  }
0x62: {  	[tilespmem:s26], [sflag:$0x5] =	stream.linear.gather [spmem:s25], $0x2000, $0x38;
	[tilespmem:$0x9010] =	vst v63  }
0x63: {  	s28 =	simm.s32 $0x7010  }
0x64: {  	[tilespmem:s28], [sflag:$0x5] =	stream.linear.gather [spmem:s31], $0x2000, $0x38;
	[tilespmem:$0x9010] =	vst v63  }
0x65: {  	_ =	swait.ge [sflag:s0], $0x4000  }
0x66: {  	[sflag:s0] =	ssyncset.done $0x0  }
0x67: {  	p0 =	por $0x1, $0x1;
	s24 =	simm.s32 $0x0;
	[sflag:s0] =	ssyncadd.s32 $0xFFFFC000  }
.LBB2_4:
0x68: {  	s23 =	sld [smem:s24+$0x0];
	_ =	sdelay $0x2  }
0x69: {  	s25 =	sshll.u32 s23, $0xB;
	s23 =	sshll.u32 s23, $0x7  }
0x6a: {  	s10 =	sor.u32 s7, s24;
	s25 =	sand.u32 $0xFFFFC000, s25;
	s26 =	sand.u32 $0x380, s23  }
0x6b: {  	s23 =	sshll.u32 s10, $0x8;
	s10 =	sor.u32 s26, s25  }
0x6c: {  	s25 =	sadd.s32 s3, s23;
	s26 =	sor.u32 $0x1010, s10  }
0x6d: {  	[hbm4b:s25+s22] =	stream.linear.scatter [tilespmem:s26], [sflag:$0x4], $0x80, $0x38;
	[tilespmem:$0x9010] =	vst v63  }
0x6e: {  	s28 =	sadd.s32 $0x80, s25;
	s26 =	sor.u32 $0x1410, s10  }
0x6f: {  	[hbm4b:s28+s22] =	stream.linear.scatter [tilespmem:s26], [sflag:$0x4], $0x80, $0x38;
	[tilespmem:$0x9010] =	vst v63  }
0x70: {  	s26 =	sor.u32 $0x1810, s10;
	s28 =	sadd.s32 $0x100, s25  }
0x71: {  	[hbm4b:s28+s22] =	stream.linear.scatter [tilespmem:s26], [sflag:$0x4], $0x80, $0x38;
	[tilespmem:$0x9010] =	vst v63  }
0x72: {  	s26 =	sor.u32 $0x1C10, s10;
	s28 =	sadd.s32 $0x180, s25  }
0x73: {  	[hbm4b:s28+s22] =	stream.linear.scatter [tilespmem:s26], [sflag:$0x4], $0x80, $0x38;
	[tilespmem:$0x9010] =	vst v63  }
0x74: {  	s26 =	sor.u32 $0x2010, s10;
	s28 =	sadd.s32 $0x200, s25  }
0x75: {  	[hbm4b:s28+s22] =	stream.linear.scatter [tilespmem:s26], [sflag:$0x4], $0x80, $0x38;
	[tilespmem:$0x9010] =	vst v63  }
0x76: {  	s26 =	sor.u32 $0x2410, s10;
	s28 =	sadd.s32 $0x280, s25  }
0x77: {  	[hbm4b:s28+s22] =	stream.linear.scatter [tilespmem:s26], [sflag:$0x4], $0x80, $0x38;
	[tilespmem:$0x9010] =	vst v63  }
0x78: {  	s26 =	sor.u32 $0x2810, s10;
	s28 =	sadd.s32 $0x300, s25  }
0x79: {  	[hbm4b:s28+s22] =	stream.linear.scatter [tilespmem:s26], [sflag:$0x4], $0x80, $0x38;
	[tilespmem:$0x9010] =	vst v63  }
0x7a: {  	s26 =	sor.u32 $0x2C10, s10;
	s28 =	sadd.s32 $0x380, s25  }
0x7b: {  	[hbm4b:s28+s22] =	stream.linear.scatter [tilespmem:s26], [sflag:$0x4], $0x80, $0x38;
	[tilespmem:$0x9010] =	vst v63  }
0x7c: {  	s26 =	sor.u32 $0x3010, s10;
	s28 =	sadd.s32 $0x400, s25  }
0x7d: {  	[hbm4b:s28+s22] =	stream.linear.scatter [tilespmem:s26], [sflag:$0x4], $0x80, $0x38;
	[tilespmem:$0x9010] =	vst v63  }
0x7e: {  	s26 =	sor.u32 $0x3410, s10;
	s28 =	sadd.s32 $0x480, s25  }
0x7f: {  	[hbm4b:s28+s22] =	stream.linear.scatter [tilespmem:s26], [sflag:$0x4], $0x80, $0x38;
	[tilespmem:$0x9010] =	vst v63  }
0x80: {  	s26 =	sor.u32 $0x3810, s10;
	s28 =	sadd.s32 $0x500, s25  }
0x81: {  	[hbm4b:s28+s22] =	stream.linear.scatter [tilespmem:s26], [sflag:$0x4], $0x80, $0x38;
	[tilespmem:$0x9010] =	vst v63  }
0x82: {  	s26 =	sor.u32 $0x3C10, s10;
	s28 =	sadd.s32 $0x580, s25  }
0x83: {  	[hbm4b:s28+s22] =	stream.linear.scatter [tilespmem:s26], [sflag:$0x4], $0x80, $0x38;
	[tilespmem:$0x9010] =	vst v63  }
0x84: {  	s26 =	sadd.s32 $0x4010, s10;
	s28 =	sadd.s32 $0x600, s25  }
0x85: {  	[hbm4b:s28+s22] =	stream.linear.scatter [tilespmem:s26], [sflag:$0x4], $0x80, $0x38;
	[tilespmem:$0x9010] =	vst v63  }
0x86: {  	s26 =	sadd.s32 $0x4410, s10;
	s28 =	sadd.s32 $0x680, s25  }
0x87: {  	[hbm4b:s28+s22] =	stream.linear.scatter [tilespmem:s26], [sflag:$0x4], $0x80, $0x38;
	[tilespmem:$0x9010] =	vst v63  }
0x88: {  	s26 =	sadd.s32 $0x4810, s10;
	s28 =	sadd.s32 $0x700, s25  }
0x89: {  	[hbm4b:s28+s22] =	stream.linear.scatter [tilespmem:s26], [sflag:$0x4], $0x80, $0x38;
	[tilespmem:$0x9010] =	vst v63  }
0x8a: {  	s28 =	sld [smem:s24+$0x1]  }
0x8b: {  	s10 =	sadd.s32 $0x4C10, s10;
	s25 =	sadd.s32 $0x780, s25  }
0x8c: {  	[hbm4b:s25+s22] =	stream.linear.scatter [tilespmem:s10], [sflag:$0x4], $0x80, $0x38;
	[tilespmem:$0x9010] =	vst v63  }
0x8d: {  	s25 =	sshll.u32 s28, $0xB;
	s26 =	sshll.u32 s28, $0x7  }
0x8e: {  	s10 =	sand.u32 $0xFFFFC000, s25;
	s25 =	sand.u32 $0x380, s26  }
0x8f: {  	s10 =	sor.u32 s25, s10  }
0x90: {  	s25 =	sadd.s32 s23, s14;
	s28 =	sor.u32 $0x1010, s10  }
0x91: {  	[hbm4b:s25+s22] =	stream.linear.scatter [tilespmem:s28], [sflag:$0x4], $0x80, $0x38;
	[tilespmem:$0x9010] =	vst v63  }
0x92: {  	s26 =	sor.u32 $0x1410, s10;
	s28 =	sadd.s32 $0x80, s25  }
0x93: {  	[hbm4b:s28+s22] =	stream.linear.scatter [tilespmem:s26], [sflag:$0x4], $0x80, $0x38;
	[tilespmem:$0x9010] =	vst v63  }
0x94: {  	s26 =	sor.u32 $0x1810, s10;
	s28 =	sadd.s32 $0x100, s25  }
0x95: {  	[hbm4b:s28+s22] =	stream.linear.scatter [tilespmem:s26], [sflag:$0x4], $0x80, $0x38;
	[tilespmem:$0x9010] =	vst v63  }
0x96: {  	s26 =	sor.u32 $0x1C10, s10;
	s28 =	sadd.s32 $0x180, s25  }
0x97: {  	[hbm4b:s28+s22] =	stream.linear.scatter [tilespmem:s26], [sflag:$0x4], $0x80, $0x38;
	[tilespmem:$0x9010] =	vst v63  }
0x98: {  	s26 =	sor.u32 $0x2010, s10;
	s28 =	sadd.s32 $0x200, s25  }
0x99: {  	[hbm4b:s28+s22] =	stream.linear.scatter [tilespmem:s26], [sflag:$0x4], $0x80, $0x38;
	[tilespmem:$0x9010] =	vst v63  }
0x9a: {  	s26 =	sor.u32 $0x2410, s10;
	s28 =	sadd.s32 $0x280, s25  }
0x9b: {  	[hbm4b:s28+s22] =	stream.linear.scatter [tilespmem:s26], [sflag:$0x4], $0x80, $0x38;
	[tilespmem:$0x9010] =	vst v63  }
0x9c: {  	s26 =	sor.u32 $0x2810, s10;
	s28 =	sadd.s32 $0x300, s25  }
0x9d: {  	[hbm4b:s28+s22] =	stream.linear.scatter [tilespmem:s26], [sflag:$0x4], $0x80, $0x38;
	[tilespmem:$0x9010] =	vst v63  }
0x9e: {  	s26 =	sor.u32 $0x2C10, s10;
	s28 =	sadd.s32 $0x380, s25  }
0x9f: {  	[hbm4b:s28+s22] =	stream.linear.scatter [tilespmem:s26], [sflag:$0x4], $0x80, $0x38;
	[tilespmem:$0x9010] =	vst v63  }
0xa0: {  	s26 =	sor.u32 $0x3010, s10;
	s28 =	sadd.s32 $0x400, s25  }
0xa1: {  	[hbm4b:s28+s22] =	stream.linear.scatter [tilespmem:s26], [sflag:$0x4], $0x80, $0x38;
	[tilespmem:$0x9010] =	vst v63  }
0xa2: {  	s26 =	sor.u32 $0x3410, s10;
	s28 =	sadd.s32 $0x480, s25  }
0xa3: {  	[hbm4b:s28+s22] =	stream.linear.scatter [tilespmem:s26], [sflag:$0x4], $0x80, $0x38;
	[tilespmem:$0x9010] =	vst v63  }
0xa4: {  	s26 =	sor.u32 $0x3810, s10;
	s28 =	sadd.s32 $0x500, s25  }
0xa5: {  	[hbm4b:s28+s22] =	stream.linear.scatter [tilespmem:s26], [sflag:$0x4], $0x80, $0x38;
	[tilespmem:$0x9010] =	vst v63  }
0xa6: {  	s26 =	sor.u32 $0x3C10, s10;
	s28 =	sadd.s32 $0x580, s25  }
0xa7: {  	[hbm4b:s28+s22] =	stream.linear.scatter [tilespmem:s26], [sflag:$0x4], $0x80, $0x38;
	[tilespmem:$0x9010] =	vst v63  }
0xa8: {  	s26 =	sadd.s32 $0x4010, s10;
	s28 =	sadd.s32 $0x600, s25  }
0xa9: {  	[hbm4b:s28+s22] =	stream.linear.scatter [tilespmem:s26], [sflag:$0x4], $0x80, $0x38;
	[tilespmem:$0x9010] =	vst v63  }
0xaa: {  	s26 =	sadd.s32 $0x4410, s10;
	s28 =	sadd.s32 $0x680, s25  }
0xab: {  	[hbm4b:s28+s22] =	stream.linear.scatter [tilespmem:s26], [sflag:$0x4], $0x80, $0x38;
	[tilespmem:$0x9010] =	vst v63  }
0xac: {  	s26 =	sadd.s32 $0x4810, s10;
	s28 =	sadd.s32 $0x700, s25  }
0xad: {  	[hbm4b:s28+s22] =	stream.linear.scatter [tilespmem:s26], [sflag:$0x4], $0x80, $0x38;
	[tilespmem:$0x9010] =	vst v63  }
0xae: {  	s28 =	sld [smem:s24+$0x2]  }
0xaf: {  	s10 =	sadd.s32 $0x4C10, s10;
	s25 =	sadd.s32 $0x780, s25  }
0xb0: {  	[hbm4b:s25+s22] =	stream.linear.scatter [tilespmem:s10], [sflag:$0x4], $0x80, $0x38;
	[tilespmem:$0x9010] =	vst v63  }
0xb1: {  	s25 =	sshll.u32 s28, $0xB;
	s26 =	sshll.u32 s28, $0x7  }
0xb2: {  	s10 =	sand.u32 $0xFFFFC000, s25;
	s25 =	sand.u32 $0x380, s26  }
0xb3: {  	s10 =	sor.u32 s25, s10  }
0xb4: {  	s25 =	sadd.s32 s23, s15;
	s28 =	sor.u32 $0x1010, s10  }
0xb5: {  	[hbm4b:s25+s22] =	stream.linear.scatter [tilespmem:s28], [sflag:$0x4], $0x80, $0x38;
	[tilespmem:$0x9010] =	vst v63  }
0xb6: {  	s26 =	sor.u32 $0x1410, s10;
	s28 =	sadd.s32 $0x80, s25  }
0xb7: {  	[hbm4b:s28+s22] =	stream.linear.scatter [tilespmem:s26], [sflag:$0x4], $0x80, $0x38;
	[tilespmem:$0x9010] =	vst v63  }
0xb8: {  	s26 =	sor.u32 $0x1810, s10;
	s28 =	sadd.s32 $0x100, s25  }
0xb9: {  	[hbm4b:s28+s22] =	stream.linear.scatter [tilespmem:s26], [sflag:$0x4], $0x80, $0x38;
	[tilespmem:$0x9010] =	vst v63  }
0xba: {  	s26 =	sor.u32 $0x1C10, s10;
	s28 =	sadd.s32 $0x180, s25  }
0xbb: {  	[hbm4b:s28+s22] =	stream.linear.scatter [tilespmem:s26], [sflag:$0x4], $0x80, $0x38;
	[tilespmem:$0x9010] =	vst v63  }
0xbc: {  	s26 =	sor.u32 $0x2010, s10;
	s28 =	sadd.s32 $0x200, s25  }
0xbd: {  	[hbm4b:s28+s22] =	stream.linear.scatter [tilespmem:s26], [sflag:$0x4], $0x80, $0x38;
	[tilespmem:$0x9010] =	vst v63  }
0xbe: {  	s26 =	sor.u32 $0x2410, s10;
	s28 =	sadd.s32 $0x280, s25  }
0xbf: {  	[hbm4b:s28+s22] =	stream.linear.scatter [tilespmem:s26], [sflag:$0x4], $0x80, $0x38;
	[tilespmem:$0x9010] =	vst v63  }
0xc0: {  	s26 =	sor.u32 $0x2810, s10;
	s28 =	sadd.s32 $0x300, s25  }
0xc1: {  	[hbm4b:s28+s22] =	stream.linear.scatter [tilespmem:s26], [sflag:$0x4], $0x80, $0x38;
	[tilespmem:$0x9010] =	vst v63  }
0xc2: {  	s26 =	sor.u32 $0x2C10, s10;
	s28 =	sadd.s32 $0x380, s25  }
0xc3: {  	[hbm4b:s28+s22] =	stream.linear.scatter [tilespmem:s26], [sflag:$0x4], $0x80, $0x38;
	[tilespmem:$0x9010] =	vst v63  }
0xc4: {  	s26 =	sor.u32 $0x3010, s10;
	s28 =	sadd.s32 $0x400, s25  }
0xc5: {  	[hbm4b:s28+s22] =	stream.linear.scatter [tilespmem:s26], [sflag:$0x4], $0x80, $0x38;
	[tilespmem:$0x9010] =	vst v63  }
0xc6: {  	s26 =	sor.u32 $0x3410, s10;
	s28 =	sadd.s32 $0x480, s25  }
0xc7: {  	[hbm4b:s28+s22] =	stream.linear.scatter [tilespmem:s26], [sflag:$0x4], $0x80, $0x38;
	[tilespmem:$0x9010] =	vst v63  }
0xc8: {  	s26 =	sor.u32 $0x3810, s10;
	s28 =	sadd.s32 $0x500, s25  }
0xc9: {  	[hbm4b:s28+s22] =	stream.linear.scatter [tilespmem:s26], [sflag:$0x4], $0x80, $0x38;
	[tilespmem:$0x9010] =	vst v63  }
0xca: {  	s26 =	sor.u32 $0x3C10, s10;
	s28 =	sadd.s32 $0x580, s25  }
0xcb: {  	[hbm4b:s28+s22] =	stream.linear.scatter [tilespmem:s26], [sflag:$0x4], $0x80, $0x38;
	[tilespmem:$0x9010] =	vst v63  }
0xcc: {  	s26 =	sadd.s32 $0x4010, s10;
	s28 =	sadd.s32 $0x600, s25  }
0xcd: {  	[hbm4b:s28+s22] =	stream.linear.scatter [tilespmem:s26], [sflag:$0x4], $0x80, $0x38;
	[tilespmem:$0x9010] =	vst v63  }
0xce: {  	s26 =	sadd.s32 $0x4410, s10;
	s28 =	sadd.s32 $0x680, s25  }
0xcf: {  	[hbm4b:s28+s22] =	stream.linear.scatter [tilespmem:s26], [sflag:$0x4], $0x80, $0x38;
	[tilespmem:$0x9010] =	vst v63  }
0xd0: {  	s26 =	sadd.s32 $0x4810, s10;
	s28 =	sadd.s32 $0x700, s25  }
0xd1: {  	[hbm4b:s28+s22] =	stream.linear.scatter [tilespmem:s26], [sflag:$0x4], $0x80, $0x38;
	[tilespmem:$0x9010] =	vst v63  }
0xd2: {  	s28 =	sld [smem:s24+$0x3]  }
0xd3: {  	s10 =	sadd.s32 $0x4C10, s10;
	s25 =	sadd.s32 $0x780, s25  }
0xd4: {  	[hbm4b:s25+s22] =	stream.linear.scatter [tilespmem:s10], [sflag:$0x4], $0x80, $0x38;
	[tilespmem:$0x9010] =	vst v63  }
0xd5: {  	s25 =	sshll.u32 s28, $0xB;
	s26 =	sshll.u32 s28, $0x7  }
0xd6: {  	s10 =	sand.u32 $0xFFFFC000, s25;
	s25 =	sand.u32 $0x380, s26  }
0xd7: {  	s10 =	sor.u32 s25, s10  }
0xd8: {  	s25 =	sadd.s32 s23, s16;
	s28 =	sor.u32 $0x1010, s10  }
0xd9: {  	[hbm4b:s25+s22] =	stream.linear.scatter [tilespmem:s28], [sflag:$0x4], $0x80, $0x38;
	[tilespmem:$0x9010] =	vst v63  }
0xda: {  	s26 =	sor.u32 $0x1410, s10;
	s28 =	sadd.s32 $0x80, s25  }
0xdb: {  	[hbm4b:s28+s22] =	stream.linear.scatter [tilespmem:s26], [sflag:$0x4], $0x80, $0x38;
	[tilespmem:$0x9010] =	vst v63  }
0xdc: {  	s26 =	sor.u32 $0x1810, s10;
	s28 =	sadd.s32 $0x100, s25  }
0xdd: {  	[hbm4b:s28+s22] =	stream.linear.scatter [tilespmem:s26], [sflag:$0x4], $0x80, $0x38;
	[tilespmem:$0x9010] =	vst v63  }
0xde: {  	s26 =	sor.u32 $0x1C10, s10;
	s28 =	sadd.s32 $0x180, s25  }
0xdf: {  	[hbm4b:s28+s22] =	stream.linear.scatter [tilespmem:s26], [sflag:$0x4], $0x80, $0x38;
	[tilespmem:$0x9010] =	vst v63  }
0xe0: {  	s26 =	sor.u32 $0x2010, s10;
	s28 =	sadd.s32 $0x200, s25  }
0xe1: {  	[hbm4b:s28+s22] =	stream.linear.scatter [tilespmem:s26], [sflag:$0x4], $0x80, $0x38;
	[tilespmem:$0x9010] =	vst v63  }
0xe2: {  	s26 =	sor.u32 $0x2410, s10;
	s28 =	sadd.s32 $0x280, s25  }
0xe3: {  	[hbm4b:s28+s22] =	stream.linear.scatter [tilespmem:s26], [sflag:$0x4], $0x80, $0x38;
	[tilespmem:$0x9010] =	vst v63  }
0xe4: {  	s26 =	sor.u32 $0x2810, s10;
	s28 =	sadd.s32 $0x300, s25  }
0xe5: {  	[hbm4b:s28+s22] =	stream.linear.scatter [tilespmem:s26], [sflag:$0x4], $0x80, $0x38;
	[tilespmem:$0x9010] =	vst v63  }
0xe6: {  	s26 =	sor.u32 $0x2C10, s10;
	s28 =	sadd.s32 $0x380, s25  }
0xe7: {  	[hbm4b:s28+s22] =	stream.linear.scatter [tilespmem:s26], [sflag:$0x4], $0x80, $0x38;
	[tilespmem:$0x9010] =	vst v63  }
0xe8: {  	s26 =	sor.u32 $0x3010, s10;
	s28 =	sadd.s32 $0x400, s25  }
0xe9: {  	[hbm4b:s28+s22] =	stream.linear.scatter [tilespmem:s26], [sflag:$0x4], $0x80, $0x38;
	[tilespmem:$0x9010] =	vst v63  }
0xea: {  	s26 =	sor.u32 $0x3410, s10;
	s28 =	sadd.s32 $0x480, s25  }
0xeb: {  	[hbm4b:s28+s22] =	stream.linear.scatter [tilespmem:s26], [sflag:$0x4], $0x80, $0x38;
	[tilespmem:$0x9010] =	vst v63  }
0xec: {  	s26 =	sor.u32 $0x3810, s10;
	s28 =	sadd.s32 $0x500, s25  }
0xed: {  	[hbm4b:s28+s22] =	stream.linear.scatter [tilespmem:s26], [sflag:$0x4], $0x80, $0x38;
	[tilespmem:$0x9010] =	vst v63  }
0xee: {  	s26 =	sor.u32 $0x3C10, s10;
	s28 =	sadd.s32 $0x580, s25  }
0xef: {  	[hbm4b:s28+s22] =	stream.linear.scatter [tilespmem:s26], [sflag:$0x4], $0x80, $0x38;
	[tilespmem:$0x9010] =	vst v63  }
0xf0: {  	s26 =	sadd.s32 $0x4010, s10;
	s28 =	sadd.s32 $0x600, s25  }
0xf1: {  	[hbm4b:s28+s22] =	stream.linear.scatter [tilespmem:s26], [sflag:$0x4], $0x80, $0x38;
	[tilespmem:$0x9010] =	vst v63  }
0xf2: {  	s26 =	sadd.s32 $0x4410, s10;
	s28 =	sadd.s32 $0x680, s25  }
0xf3: {  	[hbm4b:s28+s22] =	stream.linear.scatter [tilespmem:s26], [sflag:$0x4], $0x80, $0x38;
	[tilespmem:$0x9010] =	vst v63  }
0xf4: {  	s26 =	sadd.s32 $0x4810, s10;
	s28 =	sadd.s32 $0x700, s25  }
0xf5: {  	[hbm4b:s28+s22] =	stream.linear.scatter [tilespmem:s26], [sflag:$0x4], $0x80, $0x38;
	[tilespmem:$0x9010] =	vst v63  }
0xf6: {  	s28 =	sld [smem:s24+$0x4]  }
0xf7: {  	s10 =	sadd.s32 $0x4C10, s10;
	s25 =	sadd.s32 $0x780, s25  }
0xf8: {  	[hbm4b:s25+s22] =	stream.linear.scatter [tilespmem:s10], [sflag:$0x4], $0x80, $0x38;
	[tilespmem:$0x9010] =	vst v63  }
0xf9: {  	s25 =	sshll.u32 s28, $0xB;
	s26 =	sshll.u32 s28, $0x7  }
0xfa: {  	s10 =	sand.u32 $0xFFFFC000, s25;
	s25 =	sand.u32 $0x380, s26  }
0xfb: {  	s10 =	sor.u32 s25, s10  }
0xfc: {  	s25 =	sadd.s32 s23, s17;
	s28 =	sor.u32 $0x1010, s10  }
0xfd: {  	[hbm4b:s25+s22] =	stream.linear.scatter [tilespmem:s28], [sflag:$0x4], $0x80, $0x38;
	[tilespmem:$0x9010] =	vst v63  }
0xfe: {  	s26 =	sor.u32 $0x1410, s10;
	s28 =	sadd.s32 $0x80, s25  }
0xff: {  	[hbm4b:s28+s22] =	stream.linear.scatter [tilespmem:s26], [sflag:$0x4], $0x80, $0x38;
	[tilespmem:$0x9010] =	vst v63  }
0x100: {  	s26 =	sor.u32 $0x1810, s10;
	s28 =	sadd.s32 $0x100, s25  }
0x101: {  	[hbm4b:s28+s22] =	stream.linear.scatter [tilespmem:s26], [sflag:$0x4], $0x80, $0x38;
	[tilespmem:$0x9010] =	vst v63  }
0x102: {  	s26 =	sor.u32 $0x1C10, s10;
	s28 =	sadd.s32 $0x180, s25  }
0x103: {  	[hbm4b:s28+s22] =	stream.linear.scatter [tilespmem:s26], [sflag:$0x4], $0x80, $0x38;
	[tilespmem:$0x9010] =	vst v63  }
0x104: {  	s26 =	sor.u32 $0x2010, s10;
	s28 =	sadd.s32 $0x200, s25  }
0x105: {  	[hbm4b:s28+s22] =	stream.linear.scatter [tilespmem:s26], [sflag:$0x4], $0x80, $0x38;
	[tilespmem:$0x9010] =	vst v63  }
0x106: {  	s26 =	sor.u32 $0x2410, s10;
	s28 =	sadd.s32 $0x280, s25  }
0x107: {  	[hbm4b:s28+s22] =	stream.linear.scatter [tilespmem:s26], [sflag:$0x4], $0x80, $0x38;
	[tilespmem:$0x9010] =	vst v63  }
0x108: {  	s26 =	sor.u32 $0x2810, s10;
	s28 =	sadd.s32 $0x300, s25  }
0x109: {  	[hbm4b:s28+s22] =	stream.linear.scatter [tilespmem:s26], [sflag:$0x4], $0x80, $0x38;
	[tilespmem:$0x9010] =	vst v63  }
0x10a: {  	s26 =	sor.u32 $0x2C10, s10;
	s28 =	sadd.s32 $0x380, s25  }
0x10b: {  	[hbm4b:s28+s22] =	stream.linear.scatter [tilespmem:s26], [sflag:$0x4], $0x80, $0x38;
	[tilespmem:$0x9010] =	vst v63  }
0x10c: {  	s26 =	sor.u32 $0x3010, s10;
	s28 =	sadd.s32 $0x400, s25  }
0x10d: {  	[hbm4b:s28+s22] =	stream.linear.scatter [tilespmem:s26], [sflag:$0x4], $0x80, $0x38;
	[tilespmem:$0x9010] =	vst v63  }
0x10e: {  	s26 =	sor.u32 $0x3410, s10;
	s28 =	sadd.s32 $0x480, s25  }
0x10f: {  	[hbm4b:s28+s22] =	stream.linear.scatter [tilespmem:s26], [sflag:$0x4], $0x80, $0x38;
	[tilespmem:$0x9010] =	vst v63  }
0x110: {  	s26 =	sor.u32 $0x3810, s10;
	s28 =	sadd.s32 $0x500, s25  }
0x111: {  	[hbm4b:s28+s22] =	stream.linear.scatter [tilespmem:s26], [sflag:$0x4], $0x80, $0x38;
	[tilespmem:$0x9010] =	vst v63  }
0x112: {  	s26 =	sor.u32 $0x3C10, s10;
	s28 =	sadd.s32 $0x580, s25  }
0x113: {  	[hbm4b:s28+s22] =	stream.linear.scatter [tilespmem:s26], [sflag:$0x4], $0x80, $0x38;
	[tilespmem:$0x9010] =	vst v63  }
0x114: {  	s26 =	sadd.s32 $0x4010, s10;
	s28 =	sadd.s32 $0x600, s25  }
0x115: {  	[hbm4b:s28+s22] =	stream.linear.scatter [tilespmem:s26], [sflag:$0x4], $0x80, $0x38;
	[tilespmem:$0x9010] =	vst v63  }
0x116: {  	s26 =	sadd.s32 $0x4410, s10;
	s28 =	sadd.s32 $0x680, s25  }
0x117: {  	[hbm4b:s28+s22] =	stream.linear.scatter [tilespmem:s26], [sflag:$0x4], $0x80, $0x38;
	[tilespmem:$0x9010] =	vst v63  }
0x118: {  	s26 =	sadd.s32 $0x4810, s10;
	s28 =	sadd.s32 $0x700, s25  }
0x119: {  	[hbm4b:s28+s22] =	stream.linear.scatter [tilespmem:s26], [sflag:$0x4], $0x80, $0x38;
	[tilespmem:$0x9010] =	vst v63  }
0x11a: {  	s28 =	sld [smem:s24+$0x5]  }
0x11b: {  	s10 =	sadd.s32 $0x4C10, s10;
	s25 =	sadd.s32 $0x780, s25  }
0x11c: {  	[hbm4b:s25+s22] =	stream.linear.scatter [tilespmem:s10], [sflag:$0x4], $0x80, $0x38;
	[tilespmem:$0x9010] =	vst v63  }
0x11d: {  	s25 =	sshll.u32 s28, $0xB;
	s26 =	sshll.u32 s28, $0x7  }
0x11e: {  	s10 =	sand.u32 $0xFFFFC000, s25;
	s25 =	sand.u32 $0x380, s26  }
0x11f: {  	s10 =	sor.u32 s25, s10  }
0x120: {  	s25 =	sadd.s32 s23, s18;
	s28 =	sor.u32 $0x1010, s10  }
0x121: {  	[hbm4b:s25+s22] =	stream.linear.scatter [tilespmem:s28], [sflag:$0x4], $0x80, $0x38;
	[tilespmem:$0x9010] =	vst v63  }
0x122: {  	s26 =	sor.u32 $0x1410, s10;
	s28 =	sadd.s32 $0x80, s25  }
0x123: {  	[hbm4b:s28+s22] =	stream.linear.scatter [tilespmem:s26], [sflag:$0x4], $0x80, $0x38;
	[tilespmem:$0x9010] =	vst v63  }
0x124: {  	s26 =	sor.u32 $0x1810, s10;
	s28 =	sadd.s32 $0x100, s25  }
0x125: {  	[hbm4b:s28+s22] =	stream.linear.scatter [tilespmem:s26], [sflag:$0x4], $0x80, $0x38;
	[tilespmem:$0x9010] =	vst v63  }
0x126: {  	s26 =	sor.u32 $0x1C10, s10;
	s28 =	sadd.s32 $0x180, s25  }
0x127: {  	[hbm4b:s28+s22] =	stream.linear.scatter [tilespmem:s26], [sflag:$0x4], $0x80, $0x38;
	[tilespmem:$0x9010] =	vst v63  }
0x128: {  	s26 =	sor.u32 $0x2010, s10;
	s28 =	sadd.s32 $0x200, s25  }
0x129: {  	[hbm4b:s28+s22] =	stream.linear.scatter [tilespmem:s26], [sflag:$0x4], $0x80, $0x38;
	[tilespmem:$0x9010] =	vst v63  }
0x12a: {  	s26 =	sor.u32 $0x2410, s10;
	s28 =	sadd.s32 $0x280, s25  }
0x12b: {  	[hbm4b:s28+s22] =	stream.linear.scatter [tilespmem:s26], [sflag:$0x4], $0x80, $0x38;
	[tilespmem:$0x9010] =	vst v63  }
0x12c: {  	s26 =	sor.u32 $0x2810, s10;
	s28 =	sadd.s32 $0x300, s25  }
0x12d: {  	[hbm4b:s28+s22] =	stream.linear.scatter [tilespmem:s26], [sflag:$0x4], $0x80, $0x38;
	[tilespmem:$0x9010] =	vst v63  }
0x12e: {  	s26 =	sor.u32 $0x2C10, s10;
	s28 =	sadd.s32 $0x380, s25  }
0x12f: {  	[hbm4b:s28+s22] =	stream.linear.scatter [tilespmem:s26], [sflag:$0x4], $0x80, $0x38;
	[tilespmem:$0x9010] =	vst v63  }
0x130: {  	s26 =	sor.u32 $0x3010, s10;
	s28 =	sadd.s32 $0x400, s25  }
0x131: {  	[hbm4b:s28+s22] =	stream.linear.scatter [tilespmem:s26], [sflag:$0x4], $0x80, $0x38;
	[tilespmem:$0x9010] =	vst v63  }
0x132: {  	s26 =	sor.u32 $0x3410, s10;
	s28 =	sadd.s32 $0x480, s25  }
0x133: {  	[hbm4b:s28+s22] =	stream.linear.scatter [tilespmem:s26], [sflag:$0x4], $0x80, $0x38;
	[tilespmem:$0x9010] =	vst v63  }
0x134: {  	s26 =	sor.u32 $0x3810, s10;
	s28 =	sadd.s32 $0x500, s25  }
0x135: {  	[hbm4b:s28+s22] =	stream.linear.scatter [tilespmem:s26], [sflag:$0x4], $0x80, $0x38;
	[tilespmem:$0x9010] =	vst v63  }
0x136: {  	s26 =	sor.u32 $0x3C10, s10;
	s28 =	sadd.s32 $0x580, s25  }
0x137: {  	[hbm4b:s28+s22] =	stream.linear.scatter [tilespmem:s26], [sflag:$0x4], $0x80, $0x38;
	[tilespmem:$0x9010] =	vst v63  }
0x138: {  	s26 =	sadd.s32 $0x4010, s10;
	s28 =	sadd.s32 $0x600, s25  }
0x139: {  	[hbm4b:s28+s22] =	stream.linear.scatter [tilespmem:s26], [sflag:$0x4], $0x80, $0x38;
	[tilespmem:$0x9010] =	vst v63  }
0x13a: {  	s26 =	sadd.s32 $0x4410, s10;
	s28 =	sadd.s32 $0x680, s25  }
0x13b: {  	[hbm4b:s28+s22] =	stream.linear.scatter [tilespmem:s26], [sflag:$0x4], $0x80, $0x38;
	[tilespmem:$0x9010] =	vst v63  }
0x13c: {  	s26 =	sadd.s32 $0x4810, s10;
	s28 =	sadd.s32 $0x700, s25  }
0x13d: {  	[hbm4b:s28+s22] =	stream.linear.scatter [tilespmem:s26], [sflag:$0x4], $0x80, $0x38;
	[tilespmem:$0x9010] =	vst v63  }
0x13e: {  	s28 =	sld [smem:s24+$0x6]  }
0x13f: {  	s10 =	sadd.s32 $0x4C10, s10;
	s25 =	sadd.s32 $0x780, s25  }
0x140: {  	[hbm4b:s25+s22] =	stream.linear.scatter [tilespmem:s10], [sflag:$0x4], $0x80, $0x38;
	[tilespmem:$0x9010] =	vst v63  }
0x141: {  	s25 =	sshll.u32 s28, $0xB;
	s26 =	sshll.u32 s28, $0x7  }
0x142: {  	s10 =	sand.u32 $0xFFFFC000, s25;
	s25 =	sand.u32 $0x380, s26  }
0x143: {  	s10 =	sor.u32 s25, s10  }
0x144: {  	s25 =	sadd.s32 s23, s19;
	s28 =	sor.u32 $0x1010, s10  }
0x145: {  	[hbm4b:s25+s22] =	stream.linear.scatter [tilespmem:s28], [sflag:$0x4], $0x80, $0x38;
	[tilespmem:$0x9010] =	vst v63  }
0x146: {  	s26 =	sor.u32 $0x1410, s10;
	s28 =	sadd.s32 $0x80, s25  }
0x147: {  	[hbm4b:s28+s22] =	stream.linear.scatter [tilespmem:s26], [sflag:$0x4], $0x80, $0x38;
	[tilespmem:$0x9010] =	vst v63  }
0x148: {  	s26 =	sor.u32 $0x1810, s10;
	s28 =	sadd.s32 $0x100, s25  }
0x149: {  	[hbm4b:s28+s22] =	stream.linear.scatter [tilespmem:s26], [sflag:$0x4], $0x80, $0x38;
	[tilespmem:$0x9010] =	vst v63  }
0x14a: {  	s26 =	sor.u32 $0x1C10, s10;
	s28 =	sadd.s32 $0x180, s25  }
0x14b: {  	[hbm4b:s28+s22] =	stream.linear.scatter [tilespmem:s26], [sflag:$0x4], $0x80, $0x38;
	[tilespmem:$0x9010] =	vst v63  }
0x14c: {  	s26 =	sor.u32 $0x2010, s10;
	s28 =	sadd.s32 $0x200, s25  }
0x14d: {  	[hbm4b:s28+s22] =	stream.linear.scatter [tilespmem:s26], [sflag:$0x4], $0x80, $0x38;
	[tilespmem:$0x9010] =	vst v63  }
0x14e: {  	s26 =	sor.u32 $0x2410, s10;
	s28 =	sadd.s32 $0x280, s25  }
0x14f: {  	[hbm4b:s28+s22] =	stream.linear.scatter [tilespmem:s26], [sflag:$0x4], $0x80, $0x38;
	[tilespmem:$0x9010] =	vst v63  }
0x150: {  	s26 =	sor.u32 $0x2810, s10;
	s28 =	sadd.s32 $0x300, s25  }
0x151: {  	[hbm4b:s28+s22] =	stream.linear.scatter [tilespmem:s26], [sflag:$0x4], $0x80, $0x38;
	[tilespmem:$0x9010] =	vst v63  }
0x152: {  	s26 =	sor.u32 $0x2C10, s10;
	s28 =	sadd.s32 $0x380, s25  }
0x153: {  	[hbm4b:s28+s22] =	stream.linear.scatter [tilespmem:s26], [sflag:$0x4], $0x80, $0x38;
	[tilespmem:$0x9010] =	vst v63  }
0x154: {  	s26 =	sor.u32 $0x3010, s10;
	s28 =	sadd.s32 $0x400, s25  }
0x155: {  	[hbm4b:s28+s22] =	stream.linear.scatter [tilespmem:s26], [sflag:$0x4], $0x80, $0x38;
	[tilespmem:$0x9010] =	vst v63  }
0x156: {  	s26 =	sor.u32 $0x3410, s10;
	s28 =	sadd.s32 $0x480, s25  }
0x157: {  	[hbm4b:s28+s22] =	stream.linear.scatter [tilespmem:s26], [sflag:$0x4], $0x80, $0x38;
	[tilespmem:$0x9010] =	vst v63  }
0x158: {  	s26 =	sor.u32 $0x3810, s10;
	s28 =	sadd.s32 $0x500, s25  }
0x159: {  	[hbm4b:s28+s22] =	stream.linear.scatter [tilespmem:s26], [sflag:$0x4], $0x80, $0x38;
	[tilespmem:$0x9010] =	vst v63  }
0x15a: {  	s26 =	sor.u32 $0x3C10, s10;
	s28 =	sadd.s32 $0x580, s25  }
0x15b: {  	[hbm4b:s28+s22] =	stream.linear.scatter [tilespmem:s26], [sflag:$0x4], $0x80, $0x38;
	[tilespmem:$0x9010] =	vst v63  }
0x15c: {  	s26 =	sadd.s32 $0x4010, s10;
	s28 =	sadd.s32 $0x600, s25  }
0x15d: {  	[hbm4b:s28+s22] =	stream.linear.scatter [tilespmem:s26], [sflag:$0x4], $0x80, $0x38;
	[tilespmem:$0x9010] =	vst v63  }
0x15e: {  	s26 =	sadd.s32 $0x4410, s10;
	s28 =	sadd.s32 $0x680, s25  }
0x15f: {  	[hbm4b:s28+s22] =	stream.linear.scatter [tilespmem:s26], [sflag:$0x4], $0x80, $0x38;
	[tilespmem:$0x9010] =	vst v63  }
0x160: {  	s26 =	sadd.s32 $0x4810, s10;
	s28 =	sadd.s32 $0x700, s25  }
0x161: {  	[hbm4b:s28+s22] =	stream.linear.scatter [tilespmem:s26], [sflag:$0x4], $0x80, $0x38;
	[tilespmem:$0x9010] =	vst v63  }
0x162: {  	s28 =	sld [smem:s24+$0x7]  }
0x163: {  	s10 =	sadd.s32 $0x4C10, s10;
	s25 =	sadd.s32 $0x780, s25  }
0x164: {  	[hbm4b:s25+s22] =	stream.linear.scatter [tilespmem:s10], [sflag:$0x4], $0x80, $0x38;
	[tilespmem:$0x9010] =	vst v63  }
0x165: {  	s25 =	sshll.u32 s28, $0xB;
	s24 =	sshll.u32 s28, $0x7  }
0x166: {  	s10 =	sand.u32 $0xFFFFC000, s25;
	s24 =	sand.u32 $0x380, s24  }
0x167: {  	s10 =	sor.u32 s24, s10  }
0x168: {  	s23 =	sadd.s32 s23, s20;
	s24 =	sor.u32 $0x1010, s10  }
0x169: {  	[hbm4b:s23+s22] =	stream.linear.scatter [tilespmem:s24], [sflag:$0x4], $0x80, $0x38;
	[tilespmem:$0x9010] =	vst v63  }
0x16a: {  	s28 =	sadd.s32 $0x80, s23;
	s26 =	sor.u32 $0x1410, s10  }
0x16b: {  	[hbm4b:s28+s22] =	stream.linear.scatter [tilespmem:s26], [sflag:$0x4], $0x80, $0x38;
	[tilespmem:$0x9010] =	vst v63  }
0x16c: {  	s26 =	sor.u32 $0x1810, s10;
	s28 =	sadd.s32 $0x100, s23  }
0x16d: {  	[hbm4b:s28+s22] =	stream.linear.scatter [tilespmem:s26], [sflag:$0x4], $0x80, $0x38;
	[tilespmem:$0x9010] =	vst v63  }
0x16e: {  	s26 =	sor.u32 $0x1C10, s10;
	s28 =	sadd.s32 $0x180, s23  }
0x16f: {  	[hbm4b:s28+s22] =	stream.linear.scatter [tilespmem:s26], [sflag:$0x4], $0x80, $0x38;
	[tilespmem:$0x9010] =	vst v63  }
0x170: {  	s26 =	sor.u32 $0x2010, s10;
	s28 =	sadd.s32 $0x200, s23  }
0x171: {  	[hbm4b:s28+s22] =	stream.linear.scatter [tilespmem:s26], [sflag:$0x4], $0x80, $0x38;
	[tilespmem:$0x9010] =	vst v63  }
0x172: {  	s26 =	sor.u32 $0x2410, s10;
	s28 =	sadd.s32 $0x280, s23  }
0x173: {  	[hbm4b:s28+s22] =	stream.linear.scatter [tilespmem:s26], [sflag:$0x4], $0x80, $0x38;
	[tilespmem:$0x9010] =	vst v63  }
0x174: {  	s26 =	sor.u32 $0x2810, s10;
	s28 =	sadd.s32 $0x300, s23  }
0x175: {  	[hbm4b:s28+s22] =	stream.linear.scatter [tilespmem:s26], [sflag:$0x4], $0x80, $0x38;
	[tilespmem:$0x9010] =	vst v63  }
0x176: {  	s26 =	sor.u32 $0x2C10, s10;
	s28 =	sadd.s32 $0x380, s23  }
0x177: {  	[hbm4b:s28+s22] =	stream.linear.scatter [tilespmem:s26], [sflag:$0x4], $0x80, $0x38;
	[tilespmem:$0x9010] =	vst v63  }
0x178: {  	s26 =	sor.u32 $0x3010, s10;
	s28 =	sadd.s32 $0x400, s23  }
0x179: {  	[hbm4b:s28+s22] =	stream.linear.scatter [tilespmem:s26], [sflag:$0x4], $0x80, $0x38;
	[tilespmem:$0x9010] =	vst v63  }
0x17a: {  	s26 =	sor.u32 $0x3410, s10;
	s28 =	sadd.s32 $0x480, s23  }
0x17b: {  	[hbm4b:s28+s22] =	stream.linear.scatter [tilespmem:s26], [sflag:$0x4], $0x80, $0x38;
	[tilespmem:$0x9010] =	vst v63  }
0x17c: {  	s26 =	sor.u32 $0x3810, s10;
	s28 =	sadd.s32 $0x500, s23  }
0x17d: {  	[hbm4b:s28+s22] =	stream.linear.scatter [tilespmem:s26], [sflag:$0x4], $0x80, $0x38;
	[tilespmem:$0x9010] =	vst v63  }
0x17e: {  	s26 =	sor.u32 $0x3C10, s10;
	s28 =	sadd.s32 $0x580, s23  }
0x17f: {  	[hbm4b:s28+s22] =	stream.linear.scatter [tilespmem:s26], [sflag:$0x4], $0x80, $0x38;
	[tilespmem:$0x9010] =	vst v63  }
0x180: {  	s26 =	sadd.s32 $0x4010, s10;
	s28 =	sadd.s32 $0x600, s23  }
0x181: {  	[hbm4b:s28+s22] =	stream.linear.scatter [tilespmem:s26], [sflag:$0x4], $0x80, $0x38;
	[tilespmem:$0x9010] =	vst v63  }
0x182: {  	p1 =	por p0, p0;
	s26 =	sadd.s32 $0x4410, s10;
	s28 =	sadd.s32 $0x680, s23  }
0x183: {  	[hbm4b:s28+s22] =	stream.linear.scatter [tilespmem:s26], [sflag:$0x4], $0x80, $0x38;
	[tilespmem:$0x9010] =	vst v63  }
.Ltmp1:
0x184: {  	s26 =	sadd.s32 $0x4810, s10;
	s28 =	sadd.s32 $0x700, s23;
	(pc) =	sbr.rel @p1 .LBB2_4-.Ltmp1, $4  }
0x185: {  	[hbm4b:s28+s22] =	stream.linear.scatter [tilespmem:s26], [sflag:$0x4], $0x80, $0x38;
	[tilespmem:$0x9010] =	vst v63  }
0x186: {  	s10 =	sadd.s32 $0x4C10, s10;
	s23 =	sadd.s32 $0x780, s23  }
0x187: {  	[hbm4b:s23+s22] =	stream.linear.scatter [tilespmem:s10], [sflag:$0x4], $0x80, $0x38;
	[tilespmem:$0x9010] =	vst v63  }
0x188: {  	p0 =	por $0x0, $0x0;
	s24 =	simm.s32 $0x8;
	s23 =	simm.s32 $0x17  }
.LBB2_5:
0x189: {  	s10 =	sld [smem:s23+$0xFFFFFFF9];
	_ =	sdelay $0x2  }
0x18a: {  	s25 =	sshll.u32 s10, $0xB;
	s10 =	sshll.u32 s10, $0x7  }
0x18b: {  	s24 =	rddreg [dreg:$0x8];
	s25 =	sand.u32 $0xFFFFC000, s25;
	s10 =	sand.u32 $0x380, s10  }
0x18c: {  	s24 =	sadd.s32 s22, s24;
	s10 =	sor.u32 s10, s25  }
0x18d: {  	s28 =	sadd.s32 $0x1000, s24;
	s26 =	sor.u32 $0x1010, s10  }
0x18e: {  	[hbm4b:s28+s6] =	stream.linear.scatter [tilespmem:s26], [sflag:$0x4], $0x80, $0x38;
	[tilespmem:$0x9010] =	vst v63  }
0x18f: {  	s26 =	sor.u32 $0x1410, s10;
	s28 =	sadd.s32 $0x1080, s24  }
0x190: {  	[hbm4b:s28+s6] =	stream.linear.scatter [tilespmem:s26], [sflag:$0x4], $0x80, $0x38;
	[tilespmem:$0x9010] =	vst v63  }
0x191: {  	s26 =	sor.u32 $0x1810, s10;
	s28 =	sadd.s32 $0x1100, s24  }
0x192: {  	[hbm4b:s28+s6] =	stream.linear.scatter [tilespmem:s26], [sflag:$0x4], $0x80, $0x38;
	[tilespmem:$0x9010] =	vst v63  }
0x193: {  	s26 =	sor.u32 $0x1C10, s10;
	s28 =	sadd.s32 $0x1180, s24  }
0x194: {  	[hbm4b:s28+s6] =	stream.linear.scatter [tilespmem:s26], [sflag:$0x4], $0x80, $0x38;
	[tilespmem:$0x9010] =	vst v63  }
0x195: {  	s26 =	sor.u32 $0x2010, s10;
	s28 =	sadd.s32 $0x1200, s24  }
0x196: {  	[hbm4b:s28+s6] =	stream.linear.scatter [tilespmem:s26], [sflag:$0x4], $0x80, $0x38;
	[tilespmem:$0x9010] =	vst v63  }
0x197: {  	s26 =	sor.u32 $0x2410, s10;
	s28 =	sadd.s32 $0x1280, s24  }
0x198: {  	[hbm4b:s28+s6] =	stream.linear.scatter [tilespmem:s26], [sflag:$0x4], $0x80, $0x38;
	[tilespmem:$0x9010] =	vst v63  }
0x199: {  	s26 =	sor.u32 $0x2810, s10;
	s28 =	sadd.s32 $0x1300, s24  }
0x19a: {  	[hbm4b:s28+s6] =	stream.linear.scatter [tilespmem:s26], [sflag:$0x4], $0x80, $0x38;
	[tilespmem:$0x9010] =	vst v63  }
0x19b: {  	s26 =	sor.u32 $0x2C10, s10;
	s28 =	sadd.s32 $0x1380, s24  }
0x19c: {  	[hbm4b:s28+s6] =	stream.linear.scatter [tilespmem:s26], [sflag:$0x4], $0x80, $0x38;
	[tilespmem:$0x9010] =	vst v63  }
0x19d: {  	s26 =	sor.u32 $0x3010, s10;
	s28 =	sadd.s32 $0x1400, s24  }
0x19e: {  	[hbm4b:s28+s6] =	stream.linear.scatter [tilespmem:s26], [sflag:$0x4], $0x80, $0x38;
	[tilespmem:$0x9010] =	vst v63  }
0x19f: {  	s26 =	sor.u32 $0x3410, s10;
	s28 =	sadd.s32 $0x1480, s24  }
0x1a0: {  	[hbm4b:s28+s6] =	stream.linear.scatter [tilespmem:s26], [sflag:$0x4], $0x80, $0x38;
	[tilespmem:$0x9010] =	vst v63  }
0x1a1: {  	s26 =	sor.u32 $0x3810, s10;
	s28 =	sadd.s32 $0x1500, s24  }
0x1a2: {  	[hbm4b:s28+s6] =	stream.linear.scatter [tilespmem:s26], [sflag:$0x4], $0x80, $0x38;
	[tilespmem:$0x9010] =	vst v63  }
0x1a3: {  	s26 =	sor.u32 $0x3C10, s10;
	s28 =	sadd.s32 $0x1580, s24  }
0x1a4: {  	[hbm4b:s28+s6] =	stream.linear.scatter [tilespmem:s26], [sflag:$0x4], $0x80, $0x38;
	[tilespmem:$0x9010] =	vst v63  }
0x1a5: {  	s26 =	sadd.s32 $0x4010, s10;
	s28 =	sadd.s32 $0x1600, s24  }
0x1a6: {  	[hbm4b:s28+s6] =	stream.linear.scatter [tilespmem:s26], [sflag:$0x4], $0x80, $0x38;
	[tilespmem:$0x9010] =	vst v63  }
0x1a7: {  	s26 =	sadd.s32 $0x4410, s10;
	s28 =	sadd.s32 $0x1680, s24  }
0x1a8: {  	[hbm4b:s28+s6] =	stream.linear.scatter [tilespmem:s26], [sflag:$0x4], $0x80, $0x38;
	[tilespmem:$0x9010] =	vst v63  }
0x1a9: {  	s25 =	sld [smem:s23+$0xFFFFFFFA];
	s26 =	sadd.s32 $0x4810, s10;
	s28 =	sadd.s32 $0x1700, s24  }
0x1aa: {  	[hbm4b:s28+s6] =	stream.linear.scatter [tilespmem:s26], [sflag:$0x4], $0x80, $0x38;
	[tilespmem:$0x9010] =	vst v63  }
0x1ab: {  	s10 =	sadd.s32 $0x4C10, s10;
	s28 =	sadd.s32 $0x1780, s24  }
0x1ac: {  	[hbm4b:s28+s6] =	stream.linear.scatter [tilespmem:s10], [sflag:$0x4], $0x80, $0x38;
	[tilespmem:$0x9010] =	vst v63  }
0x1ad: {  	s28 =	sshll.u32 s25, $0xB;
	s25 =	sshll.u32 s25, $0x7  }
0x1ae: {  	s10 =	sand.u32 $0xFFFFC000, s28;
	s25 =	sand.u32 $0x380, s25  }
0x1af: {  	s10 =	sor.u32 s25, s10  }
0x1b0: {  	s26 =	sadd.s32 $0x1010, s24;
	s28 =	sor.u32 $0x1010, s10  }
0x1b1: {  	[hbm4b:s26+s6] =	stream.linear.scatter [tilespmem:s28], [sflag:$0x4], $0x80, $0x38;
	[tilespmem:$0x9010] =	vst v63  }
0x1b2: {  	s26 =	sor.u32 $0x1410, s10;
	s28 =	sadd.s32 $0x1090, s24  }
0x1b3: {  	[hbm4b:s28+s6] =	stream.linear.scatter [tilespmem:s26], [sflag:$0x4], $0x80, $0x38;
	[tilespmem:$0x9010] =	vst v63  }
0x1b4: {  	s26 =	sor.u32 $0x1810, s10;
	s28 =	sadd.s32 $0x1110, s24  }
0x1b5: {  	[hbm4b:s28+s6] =	stream.linear.scatter [tilespmem:s26], [sflag:$0x4], $0x80, $0x38;
	[tilespmem:$0x9010] =	vst v63  }
0x1b6: {  	s26 =	sor.u32 $0x1C10, s10;
	s28 =	sadd.s32 $0x1190, s24  }
0x1b7: {  	[hbm4b:s28+s6] =	stream.linear.scatter [tilespmem:s26], [sflag:$0x4], $0x80, $0x38;
	[tilespmem:$0x9010] =	vst v63  }
0x1b8: {  	s26 =	sor.u32 $0x2010, s10;
	s28 =	sadd.s32 $0x1210, s24  }
0x1b9: {  	[hbm4b:s28+s6] =	stream.linear.scatter [tilespmem:s26], [sflag:$0x4], $0x80, $0x38;
	[tilespmem:$0x9010] =	vst v63  }
0x1ba: {  	s26 =	sor.u32 $0x2410, s10;
	s28 =	sadd.s32 $0x1290, s24  }
0x1bb: {  	[hbm4b:s28+s6] =	stream.linear.scatter [tilespmem:s26], [sflag:$0x4], $0x80, $0x38;
	[tilespmem:$0x9010] =	vst v63  }
0x1bc: {  	s26 =	sor.u32 $0x2810, s10;
	s28 =	sadd.s32 $0x1310, s24  }
0x1bd: {  	[hbm4b:s28+s6] =	stream.linear.scatter [tilespmem:s26], [sflag:$0x4], $0x80, $0x38;
	[tilespmem:$0x9010] =	vst v63  }
0x1be: {  	s26 =	sor.u32 $0x2C10, s10;
	s28 =	sadd.s32 $0x1390, s24  }
0x1bf: {  	[hbm4b:s28+s6] =	stream.linear.scatter [tilespmem:s26], [sflag:$0x4], $0x80, $0x38;
	[tilespmem:$0x9010] =	vst v63  }
0x1c0: {  	s26 =	sor.u32 $0x3010, s10;
	s28 =	sadd.s32 $0x1410, s24  }
0x1c1: {  	[hbm4b:s28+s6] =	stream.linear.scatter [tilespmem:s26], [sflag:$0x4], $0x80, $0x38;
	[tilespmem:$0x9010] =	vst v63  }
0x1c2: {  	s26 =	sor.u32 $0x3410, s10;
	s28 =	sadd.s32 $0x1490, s24  }
0x1c3: {  	[hbm4b:s28+s6] =	stream.linear.scatter [tilespmem:s26], [sflag:$0x4], $0x80, $0x38;
	[tilespmem:$0x9010] =	vst v63  }
0x1c4: {  	s26 =	sor.u32 $0x3810, s10;
	s28 =	sadd.s32 $0x1510, s24  }
0x1c5: {  	[hbm4b:s28+s6] =	stream.linear.scatter [tilespmem:s26], [sflag:$0x4], $0x80, $0x38;
	[tilespmem:$0x9010] =	vst v63  }
0x1c6: {  	s26 =	sor.u32 $0x3C10, s10;
	s28 =	sadd.s32 $0x1590, s24  }
0x1c7: {  	[hbm4b:s28+s6] =	stream.linear.scatter [tilespmem:s26], [sflag:$0x4], $0x80, $0x38;
	[tilespmem:$0x9010] =	vst v63  }
0x1c8: {  	s26 =	sadd.s32 $0x4010, s10;
	s28 =	sadd.s32 $0x1610, s24  }
0x1c9: {  	[hbm4b:s28+s6] =	stream.linear.scatter [tilespmem:s26], [sflag:$0x4], $0x80, $0x38;
	[tilespmem:$0x9010] =	vst v63  }
0x1ca: {  	s26 =	sadd.s32 $0x4410, s10;
	s28 =	sadd.s32 $0x1690, s24  }
0x1cb: {  	[hbm4b:s28+s6] =	stream.linear.scatter [tilespmem:s26], [sflag:$0x4], $0x80, $0x38;
	[tilespmem:$0x9010] =	vst v63  }
0x1cc: {  	s25 =	sld [smem:s23+$0xFFFFFFFB];
	s26 =	sadd.s32 $0x4810, s10;
	s28 =	sadd.s32 $0x1710, s24  }
0x1cd: {  	[hbm4b:s28+s6] =	stream.linear.scatter [tilespmem:s26], [sflag:$0x4], $0x80, $0x38;
	[tilespmem:$0x9010] =	vst v63  }
0x1ce: {  	s10 =	sadd.s32 $0x4C10, s10;
	s28 =	sadd.s32 $0x1790, s24  }
0x1cf: {  	[hbm4b:s28+s6] =	stream.linear.scatter [tilespmem:s10], [sflag:$0x4], $0x80, $0x38;
	[tilespmem:$0x9010] =	vst v63  }
0x1d0: {  	s28 =	sshll.u32 s25, $0xB;
	s25 =	sshll.u32 s25, $0x7  }
0x1d1: {  	s10 =	sand.u32 $0xFFFFC000, s28;
	s25 =	sand.u32 $0x380, s25  }
0x1d2: {  	s10 =	sor.u32 s25, s10  }
0x1d3: {  	s26 =	sadd.s32 $0x1020, s24;
	s28 =	sor.u32 $0x1010, s10  }
0x1d4: {  	[hbm4b:s26+s6] =	stream.linear.scatter [tilespmem:s28], [sflag:$0x4], $0x80, $0x38;
	[tilespmem:$0x9010] =	vst v63  }
0x1d5: {  	s26 =	sor.u32 $0x1410, s10;
	s28 =	sadd.s32 $0x10A0, s24  }
0x1d6: {  	[hbm4b:s28+s6] =	stream.linear.scatter [tilespmem:s26], [sflag:$0x4], $0x80, $0x38;
	[tilespmem:$0x9010] =	vst v63  }
0x1d7: {  	s26 =	sor.u32 $0x1810, s10;
	s28 =	sadd.s32 $0x1120, s24  }
0x1d8: {  	[hbm4b:s28+s6] =	stream.linear.scatter [tilespmem:s26], [sflag:$0x4], $0x80, $0x38;
	[tilespmem:$0x9010] =	vst v63  }
0x1d9: {  	s26 =	sor.u32 $0x1C10, s10;
	s28 =	sadd.s32 $0x11A0, s24  }
0x1da: {  	[hbm4b:s28+s6] =	stream.linear.scatter [tilespmem:s26], [sflag:$0x4], $0x80, $0x38;
	[tilespmem:$0x9010] =	vst v63  }
0x1db: {  	s26 =	sor.u32 $0x2010, s10;
	s28 =	sadd.s32 $0x1220, s24  }
0x1dc: {  	[hbm4b:s28+s6] =	stream.linear.scatter [tilespmem:s26], [sflag:$0x4], $0x80, $0x38;
	[tilespmem:$0x9010] =	vst v63  }
0x1dd: {  	s26 =	sor.u32 $0x2410, s10;
	s28 =	sadd.s32 $0x12A0, s24  }
0x1de: {  	[hbm4b:s28+s6] =	stream.linear.scatter [tilespmem:s26], [sflag:$0x4], $0x80, $0x38;
	[tilespmem:$0x9010] =	vst v63  }
0x1df: {  	s26 =	sor.u32 $0x2810, s10;
	s28 =	sadd.s32 $0x1320, s24  }
0x1e0: {  	[hbm4b:s28+s6] =	stream.linear.scatter [tilespmem:s26], [sflag:$0x4], $0x80, $0x38;
	[tilespmem:$0x9010] =	vst v63  }
0x1e1: {  	s26 =	sor.u32 $0x2C10, s10;
	s28 =	sadd.s32 $0x13A0, s24  }
0x1e2: {  	[hbm4b:s28+s6] =	stream.linear.scatter [tilespmem:s26], [sflag:$0x4], $0x80, $0x38;
	[tilespmem:$0x9010] =	vst v63  }
0x1e3: {  	s26 =	sor.u32 $0x3010, s10;
	s28 =	sadd.s32 $0x1420, s24  }
0x1e4: {  	[hbm4b:s28+s6] =	stream.linear.scatter [tilespmem:s26], [sflag:$0x4], $0x80, $0x38;
	[tilespmem:$0x9010] =	vst v63  }
0x1e5: {  	s26 =	sor.u32 $0x3410, s10;
	s28 =	sadd.s32 $0x14A0, s24  }
0x1e6: {  	[hbm4b:s28+s6] =	stream.linear.scatter [tilespmem:s26], [sflag:$0x4], $0x80, $0x38;
	[tilespmem:$0x9010] =	vst v63  }
0x1e7: {  	s26 =	sor.u32 $0x3810, s10;
	s28 =	sadd.s32 $0x1520, s24  }
0x1e8: {  	[hbm4b:s28+s6] =	stream.linear.scatter [tilespmem:s26], [sflag:$0x4], $0x80, $0x38;
	[tilespmem:$0x9010] =	vst v63  }
0x1e9: {  	s26 =	sor.u32 $0x3C10, s10;
	s28 =	sadd.s32 $0x15A0, s24  }
0x1ea: {  	[hbm4b:s28+s6] =	stream.linear.scatter [tilespmem:s26], [sflag:$0x4], $0x80, $0x38;
	[tilespmem:$0x9010] =	vst v63  }
0x1eb: {  	s26 =	sadd.s32 $0x4010, s10;
	s28 =	sadd.s32 $0x1620, s24  }
0x1ec: {  	[hbm4b:s28+s6] =	stream.linear.scatter [tilespmem:s26], [sflag:$0x4], $0x80, $0x38;
	[tilespmem:$0x9010] =	vst v63  }
0x1ed: {  	s26 =	sadd.s32 $0x4410, s10;
	s28 =	sadd.s32 $0x16A0, s24  }
0x1ee: {  	[hbm4b:s28+s6] =	stream.linear.scatter [tilespmem:s26], [sflag:$0x4], $0x80, $0x38;
	[tilespmem:$0x9010] =	vst v63  }
0x1ef: {  	s25 =	sld [smem:s23+$0xFFFFFFFC];
	s26 =	sadd.s32 $0x4810, s10;
	s28 =	sadd.s32 $0x1720, s24  }
0x1f0: {  	[hbm4b:s28+s6] =	stream.linear.scatter [tilespmem:s26], [sflag:$0x4], $0x80, $0x38;
	[tilespmem:$0x9010] =	vst v63  }
0x1f1: {  	s10 =	sadd.s32 $0x4C10, s10;
	s28 =	sadd.s32 $0x17A0, s24  }
0x1f2: {  	[hbm4b:s28+s6] =	stream.linear.scatter [tilespmem:s10], [sflag:$0x4], $0x80, $0x38;
	[tilespmem:$0x9010] =	vst v63  }
0x1f3: {  	s28 =	sshll.u32 s25, $0xB;
	s25 =	sshll.u32 s25, $0x7  }
0x1f4: {  	s10 =	sand.u32 $0xFFFFC000, s28;
	s25 =	sand.u32 $0x380, s25  }
0x1f5: {  	s10 =	sor.u32 s25, s10  }
0x1f6: {  	s26 =	sadd.s32 $0x1030, s24;
	s28 =	sor.u32 $0x1010, s10  }
0x1f7: {  	[hbm4b:s26+s6] =	stream.linear.scatter [tilespmem:s28], [sflag:$0x4], $0x80, $0x38;
	[tilespmem:$0x9010] =	vst v63  }
0x1f8: {  	s26 =	sor.u32 $0x1410, s10;
	s28 =	sadd.s32 $0x10B0, s24  }
0x1f9: {  	[hbm4b:s28+s6] =	stream.linear.scatter [tilespmem:s26], [sflag:$0x4], $0x80, $0x38;
	[tilespmem:$0x9010] =	vst v63  }
0x1fa: {  	s26 =	sor.u32 $0x1810, s10;
	s28 =	sadd.s32 $0x1130, s24  }
0x1fb: {  	[hbm4b:s28+s6] =	stream.linear.scatter [tilespmem:s26], [sflag:$0x4], $0x80, $0x38;
	[tilespmem:$0x9010] =	vst v63  }
0x1fc: {  	s26 =	sor.u32 $0x1C10, s10;
	s28 =	sadd.s32 $0x11B0, s24  }
0x1fd: {  	[hbm4b:s28+s6] =	stream.linear.scatter [tilespmem:s26], [sflag:$0x4], $0x80, $0x38;
	[tilespmem:$0x9010] =	vst v63  }
0x1fe: {  	s26 =	sor.u32 $0x2010, s10;
	s28 =	sadd.s32 $0x1230, s24  }
0x1ff: {  	[hbm4b:s28+s6] =	stream.linear.scatter [tilespmem:s26], [sflag:$0x4], $0x80, $0x38;
	[tilespmem:$0x9010] =	vst v63  }
0x200: {  	s26 =	sor.u32 $0x2410, s10;
	s28 =	sadd.s32 $0x12B0, s24  }
0x201: {  	[hbm4b:s28+s6] =	stream.linear.scatter [tilespmem:s26], [sflag:$0x4], $0x80, $0x38;
	[tilespmem:$0x9010] =	vst v63  }
0x202: {  	s26 =	sor.u32 $0x2810, s10;
	s28 =	sadd.s32 $0x1330, s24  }
0x203: {  	[hbm4b:s28+s6] =	stream.linear.scatter [tilespmem:s26], [sflag:$0x4], $0x80, $0x38;
	[tilespmem:$0x9010] =	vst v63  }
0x204: {  	s26 =	sor.u32 $0x2C10, s10;
	s28 =	sadd.s32 $0x13B0, s24  }
0x205: {  	[hbm4b:s28+s6] =	stream.linear.scatter [tilespmem:s26], [sflag:$0x4], $0x80, $0x38;
	[tilespmem:$0x9010] =	vst v63  }
0x206: {  	s26 =	sor.u32 $0x3010, s10;
	s28 =	sadd.s32 $0x1430, s24  }
0x207: {  	[hbm4b:s28+s6] =	stream.linear.scatter [tilespmem:s26], [sflag:$0x4], $0x80, $0x38;
	[tilespmem:$0x9010] =	vst v63  }
0x208: {  	s26 =	sor.u32 $0x3410, s10;
	s28 =	sadd.s32 $0x14B0, s24  }
0x209: {  	[hbm4b:s28+s6] =	stream.linear.scatter [tilespmem:s26], [sflag:$0x4], $0x80, $0x38;
	[tilespmem:$0x9010] =	vst v63  }
0x20a: {  	s26 =	sor.u32 $0x3810, s10;
	s28 =	sadd.s32 $0x1530, s24  }
0x20b: {  	[hbm4b:s28+s6] =	stream.linear.scatter [tilespmem:s26], [sflag:$0x4], $0x80, $0x38;
	[tilespmem:$0x9010] =	vst v63  }
0x20c: {  	s26 =	sor.u32 $0x3C10, s10;
	s28 =	sadd.s32 $0x15B0, s24  }
0x20d: {  	[hbm4b:s28+s6] =	stream.linear.scatter [tilespmem:s26], [sflag:$0x4], $0x80, $0x38;
	[tilespmem:$0x9010] =	vst v63  }
0x20e: {  	s26 =	sadd.s32 $0x4010, s10;
	s28 =	sadd.s32 $0x1630, s24  }
0x20f: {  	[hbm4b:s28+s6] =	stream.linear.scatter [tilespmem:s26], [sflag:$0x4], $0x80, $0x38;
	[tilespmem:$0x9010] =	vst v63  }
0x210: {  	s26 =	sadd.s32 $0x4410, s10;
	s28 =	sadd.s32 $0x16B0, s24  }
0x211: {  	[hbm4b:s28+s6] =	stream.linear.scatter [tilespmem:s26], [sflag:$0x4], $0x80, $0x38;
	[tilespmem:$0x9010] =	vst v63  }
0x212: {  	s25 =	sld [smem:s23+$0xFFFFFFFD];
	s26 =	sadd.s32 $0x4810, s10;
	s28 =	sadd.s32 $0x1730, s24  }
0x213: {  	[hbm4b:s28+s6] =	stream.linear.scatter [tilespmem:s26], [sflag:$0x4], $0x80, $0x38;
	[tilespmem:$0x9010] =	vst v63  }
0x214: {  	s10 =	sadd.s32 $0x4C10, s10;
	s28 =	sadd.s32 $0x17B0, s24  }
0x215: {  	[hbm4b:s28+s6] =	stream.linear.scatter [tilespmem:s10], [sflag:$0x4], $0x80, $0x38;
	[tilespmem:$0x9010] =	vst v63  }
0x216: {  	s28 =	sshll.u32 s25, $0xB;
	s25 =	sshll.u32 s25, $0x7  }
0x217: {  	s10 =	sand.u32 $0xFFFFC000, s28;
	s25 =	sand.u32 $0x380, s25  }
0x218: {  	s10 =	sor.u32 s25, s10  }
0x219: {  	s26 =	sadd.s32 $0x1040, s24;
	s28 =	sor.u32 $0x1010, s10  }
0x21a: {  	[hbm4b:s26+s6] =	stream.linear.scatter [tilespmem:s28], [sflag:$0x4], $0x80, $0x38;
	[tilespmem:$0x9010] =	vst v63  }
0x21b: {  	s26 =	sor.u32 $0x1410, s10;
	s28 =	sadd.s32 $0x10C0, s24  }
0x21c: {  	[hbm4b:s28+s6] =	stream.linear.scatter [tilespmem:s26], [sflag:$0x4], $0x80, $0x38;
	[tilespmem:$0x9010] =	vst v63  }
0x21d: {  	s26 =	sor.u32 $0x1810, s10;
	s28 =	sadd.s32 $0x1140, s24  }
0x21e: {  	[hbm4b:s28+s6] =	stream.linear.scatter [tilespmem:s26], [sflag:$0x4], $0x80, $0x38;
	[tilespmem:$0x9010] =	vst v63  }
0x21f: {  	s26 =	sor.u32 $0x1C10, s10;
	s28 =	sadd.s32 $0x11C0, s24  }
0x220: {  	[hbm4b:s28+s6] =	stream.linear.scatter [tilespmem:s26], [sflag:$0x4], $0x80, $0x38;
	[tilespmem:$0x9010] =	vst v63  }
0x221: {  	s26 =	sor.u32 $0x2010, s10;
	s28 =	sadd.s32 $0x1240, s24  }
0x222: {  	[hbm4b:s28+s6] =	stream.linear.scatter [tilespmem:s26], [sflag:$0x4], $0x80, $0x38;
	[tilespmem:$0x9010] =	vst v63  }
0x223: {  	s26 =	sor.u32 $0x2410, s10;
	s28 =	sadd.s32 $0x12C0, s24  }
0x224: {  	[hbm4b:s28+s6] =	stream.linear.scatter [tilespmem:s26], [sflag:$0x4], $0x80, $0x38;
	[tilespmem:$0x9010] =	vst v63  }
0x225: {  	s26 =	sor.u32 $0x2810, s10;
	s28 =	sadd.s32 $0x1340, s24  }
0x226: {  	[hbm4b:s28+s6] =	stream.linear.scatter [tilespmem:s26], [sflag:$0x4], $0x80, $0x38;
	[tilespmem:$0x9010] =	vst v63  }
0x227: {  	s26 =	sor.u32 $0x2C10, s10;
	s28 =	sadd.s32 $0x13C0, s24  }
0x228: {  	[hbm4b:s28+s6] =	stream.linear.scatter [tilespmem:s26], [sflag:$0x4], $0x80, $0x38;
	[tilespmem:$0x9010] =	vst v63  }
0x229: {  	s26 =	sor.u32 $0x3010, s10;
	s28 =	sadd.s32 $0x1440, s24  }
0x22a: {  	[hbm4b:s28+s6] =	stream.linear.scatter [tilespmem:s26], [sflag:$0x4], $0x80, $0x38;
	[tilespmem:$0x9010] =	vst v63  }
0x22b: {  	s26 =	sor.u32 $0x3410, s10;
	s28 =	sadd.s32 $0x14C0, s24  }
0x22c: {  	[hbm4b:s28+s6] =	stream.linear.scatter [tilespmem:s26], [sflag:$0x4], $0x80, $0x38;
	[tilespmem:$0x9010] =	vst v63  }
0x22d: {  	s26 =	sor.u32 $0x3810, s10;
	s28 =	sadd.s32 $0x1540, s24  }
0x22e: {  	[hbm4b:s28+s6] =	stream.linear.scatter [tilespmem:s26], [sflag:$0x4], $0x80, $0x38;
	[tilespmem:$0x9010] =	vst v63  }
0x22f: {  	s26 =	sor.u32 $0x3C10, s10;
	s28 =	sadd.s32 $0x15C0, s24  }
0x230: {  	[hbm4b:s28+s6] =	stream.linear.scatter [tilespmem:s26], [sflag:$0x4], $0x80, $0x38;
	[tilespmem:$0x9010] =	vst v63  }
0x231: {  	s26 =	sadd.s32 $0x4010, s10;
	s28 =	sadd.s32 $0x1640, s24  }
0x232: {  	[hbm4b:s28+s6] =	stream.linear.scatter [tilespmem:s26], [sflag:$0x4], $0x80, $0x38;
	[tilespmem:$0x9010] =	vst v63  }
0x233: {  	s26 =	sadd.s32 $0x4410, s10;
	s28 =	sadd.s32 $0x16C0, s24  }
0x234: {  	[hbm4b:s28+s6] =	stream.linear.scatter [tilespmem:s26], [sflag:$0x4], $0x80, $0x38;
	[tilespmem:$0x9010] =	vst v63  }
0x235: {  	s25 =	sld [smem:s23+$0xFFFFFFFE];
	s26 =	sadd.s32 $0x4810, s10;
	s28 =	sadd.s32 $0x1740, s24  }
0x236: {  	[hbm4b:s28+s6] =	stream.linear.scatter [tilespmem:s26], [sflag:$0x4], $0x80, $0x38;
	[tilespmem:$0x9010] =	vst v63  }
0x237: {  	s10 =	sadd.s32 $0x4C10, s10;
	s28 =	sadd.s32 $0x17C0, s24  }
0x238: {  	[hbm4b:s28+s6] =	stream.linear.scatter [tilespmem:s10], [sflag:$0x4], $0x80, $0x38;
	[tilespmem:$0x9010] =	vst v63  }
0x239: {  	s28 =	sshll.u32 s25, $0xB;
	s25 =	sshll.u32 s25, $0x7  }
0x23a: {  	s10 =	sand.u32 $0xFFFFC000, s28;
	s25 =	sand.u32 $0x380, s25  }
0x23b: {  	s10 =	sor.u32 s25, s10  }
0x23c: {  	s26 =	sadd.s32 $0x1050, s24;
	s28 =	sor.u32 $0x1010, s10  }
0x23d: {  	[hbm4b:s26+s6] =	stream.linear.scatter [tilespmem:s28], [sflag:$0x4], $0x80, $0x38;
	[tilespmem:$0x9010] =	vst v63  }
0x23e: {  	s26 =	sor.u32 $0x1410, s10;
	s28 =	sadd.s32 $0x10D0, s24  }
0x23f: {  	[hbm4b:s28+s6] =	stream.linear.scatter [tilespmem:s26], [sflag:$0x4], $0x80, $0x38;
	[tilespmem:$0x9010] =	vst v63  }
0x240: {  	s26 =	sor.u32 $0x1810, s10;
	s28 =	sadd.s32 $0x1150, s24  }
0x241: {  	[hbm4b:s28+s6] =	stream.linear.scatter [tilespmem:s26], [sflag:$0x4], $0x80, $0x38;
	[tilespmem:$0x9010] =	vst v63  }
0x242: {  	s26 =	sor.u32 $0x1C10, s10;
	s28 =	sadd.s32 $0x11D0, s24  }
0x243: {  	[hbm4b:s28+s6] =	stream.linear.scatter [tilespmem:s26], [sflag:$0x4], $0x80, $0x38;
	[tilespmem:$0x9010] =	vst v63  }
0x244: {  	s26 =	sor.u32 $0x2010, s10;
	s28 =	sadd.s32 $0x1250, s24  }
0x245: {  	[hbm4b:s28+s6] =	stream.linear.scatter [tilespmem:s26], [sflag:$0x4], $0x80, $0x38;
	[tilespmem:$0x9010] =	vst v63  }
0x246: {  	s26 =	sor.u32 $0x2410, s10;
	s28 =	sadd.s32 $0x12D0, s24  }
0x247: {  	[hbm4b:s28+s6] =	stream.linear.scatter [tilespmem:s26], [sflag:$0x4], $0x80, $0x38;
	[tilespmem:$0x9010] =	vst v63  }
0x248: {  	s26 =	sor.u32 $0x2810, s10;
	s28 =	sadd.s32 $0x1350, s24  }
0x249: {  	[hbm4b:s28+s6] =	stream.linear.scatter [tilespmem:s26], [sflag:$0x4], $0x80, $0x38;
	[tilespmem:$0x9010] =	vst v63  }
0x24a: {  	s26 =	sor.u32 $0x2C10, s10;
	s28 =	sadd.s32 $0x13D0, s24  }
0x24b: {  	[hbm4b:s28+s6] =	stream.linear.scatter [tilespmem:s26], [sflag:$0x4], $0x80, $0x38;
	[tilespmem:$0x9010] =	vst v63  }
0x24c: {  	s26 =	sor.u32 $0x3010, s10;
	s28 =	sadd.s32 $0x1450, s24  }
0x24d: {  	[hbm4b:s28+s6] =	stream.linear.scatter [tilespmem:s26], [sflag:$0x4], $0x80, $0x38;
	[tilespmem:$0x9010] =	vst v63  }
0x24e: {  	s26 =	sor.u32 $0x3410, s10;
	s28 =	sadd.s32 $0x14D0, s24  }
0x24f: {  	[hbm4b:s28+s6] =	stream.linear.scatter [tilespmem:s26], [sflag:$0x4], $0x80, $0x38;
	[tilespmem:$0x9010] =	vst v63  }
0x250: {  	s26 =	sor.u32 $0x3810, s10;
	s28 =	sadd.s32 $0x1550, s24  }
0x251: {  	[hbm4b:s28+s6] =	stream.linear.scatter [tilespmem:s26], [sflag:$0x4], $0x80, $0x38;
	[tilespmem:$0x9010] =	vst v63  }
0x252: {  	s26 =	sor.u32 $0x3C10, s10;
	s28 =	sadd.s32 $0x15D0, s24  }
0x253: {  	[hbm4b:s28+s6] =	stream.linear.scatter [tilespmem:s26], [sflag:$0x4], $0x80, $0x38;
	[tilespmem:$0x9010] =	vst v63  }
0x254: {  	s26 =	sadd.s32 $0x4010, s10;
	s28 =	sadd.s32 $0x1650, s24  }
0x255: {  	[hbm4b:s28+s6] =	stream.linear.scatter [tilespmem:s26], [sflag:$0x4], $0x80, $0x38;
	[tilespmem:$0x9010] =	vst v63  }
0x256: {  	s26 =	sadd.s32 $0x4410, s10;
	s28 =	sadd.s32 $0x16D0, s24  }
0x257: {  	[hbm4b:s28+s6] =	stream.linear.scatter [tilespmem:s26], [sflag:$0x4], $0x80, $0x38;
	[tilespmem:$0x9010] =	vst v63  }
0x258: {  	s25 =	sld [smem:s23+$0xFFFFFFFF];
	s26 =	sadd.s32 $0x4810, s10;
	s28 =	sadd.s32 $0x1750, s24  }
0x259: {  	[hbm4b:s28+s6] =	stream.linear.scatter [tilespmem:s26], [sflag:$0x4], $0x80, $0x38;
	[tilespmem:$0x9010] =	vst v63  }
0x25a: {  	s10 =	sadd.s32 $0x4C10, s10;
	s28 =	sadd.s32 $0x17D0, s24  }
0x25b: {  	[hbm4b:s28+s6] =	stream.linear.scatter [tilespmem:s10], [sflag:$0x4], $0x80, $0x38;
	[tilespmem:$0x9010] =	vst v63  }
0x25c: {  	s28 =	sshll.u32 s25, $0xB;
	s25 =	sshll.u32 s25, $0x7  }
0x25d: {  	s10 =	sand.u32 $0xFFFFC000, s28;
	s25 =	sand.u32 $0x380, s25  }
0x25e: {  	s10 =	sor.u32 s25, s10  }
0x25f: {  	s26 =	sadd.s32 $0x1060, s24;
	s28 =	sor.u32 $0x1010, s10  }
0x260: {  	[hbm4b:s26+s6] =	stream.linear.scatter [tilespmem:s28], [sflag:$0x4], $0x80, $0x38;
	[tilespmem:$0x9010] =	vst v63  }
0x261: {  	s26 =	sor.u32 $0x1410, s10;
	s28 =	sadd.s32 $0x10E0, s24  }
0x262: {  	[hbm4b:s28+s6] =	stream.linear.scatter [tilespmem:s26], [sflag:$0x4], $0x80, $0x38;
	[tilespmem:$0x9010] =	vst v63  }
0x263: {  	s26 =	sor.u32 $0x1810, s10;
	s28 =	sadd.s32 $0x1160, s24  }
0x264: {  	[hbm4b:s28+s6] =	stream.linear.scatter [tilespmem:s26], [sflag:$0x4], $0x80, $0x38;
	[tilespmem:$0x9010] =	vst v63  }
0x265: {  	s26 =	sor.u32 $0x1C10, s10;
	s28 =	sadd.s32 $0x11E0, s24  }
0x266: {  	[hbm4b:s28+s6] =	stream.linear.scatter [tilespmem:s26], [sflag:$0x4], $0x80, $0x38;
	[tilespmem:$0x9010] =	vst v63  }
0x267: {  	s26 =	sor.u32 $0x2010, s10;
	s28 =	sadd.s32 $0x1260, s24  }
0x268: {  	[hbm4b:s28+s6] =	stream.linear.scatter [tilespmem:s26], [sflag:$0x4], $0x80, $0x38;
	[tilespmem:$0x9010] =	vst v63  }
0x269: {  	s26 =	sor.u32 $0x2410, s10;
	s28 =	sadd.s32 $0x12E0, s24  }
0x26a: {  	[hbm4b:s28+s6] =	stream.linear.scatter [tilespmem:s26], [sflag:$0x4], $0x80, $0x38;
	[tilespmem:$0x9010] =	vst v63  }
0x26b: {  	s26 =	sor.u32 $0x2810, s10;
	s28 =	sadd.s32 $0x1360, s24  }
0x26c: {  	[hbm4b:s28+s6] =	stream.linear.scatter [tilespmem:s26], [sflag:$0x4], $0x80, $0x38;
	[tilespmem:$0x9010] =	vst v63  }
0x26d: {  	s26 =	sor.u32 $0x2C10, s10;
	s28 =	sadd.s32 $0x13E0, s24  }
0x26e: {  	[hbm4b:s28+s6] =	stream.linear.scatter [tilespmem:s26], [sflag:$0x4], $0x80, $0x38;
	[tilespmem:$0x9010] =	vst v63  }
0x26f: {  	s26 =	sor.u32 $0x3010, s10;
	s28 =	sadd.s32 $0x1460, s24  }
0x270: {  	[hbm4b:s28+s6] =	stream.linear.scatter [tilespmem:s26], [sflag:$0x4], $0x80, $0x38;
	[tilespmem:$0x9010] =	vst v63  }
0x271: {  	s26 =	sor.u32 $0x3410, s10;
	s28 =	sadd.s32 $0x14E0, s24  }
0x272: {  	[hbm4b:s28+s6] =	stream.linear.scatter [tilespmem:s26], [sflag:$0x4], $0x80, $0x38;
	[tilespmem:$0x9010] =	vst v63  }
0x273: {  	s26 =	sor.u32 $0x3810, s10;
	s28 =	sadd.s32 $0x1560, s24  }
0x274: {  	[hbm4b:s28+s6] =	stream.linear.scatter [tilespmem:s26], [sflag:$0x4], $0x80, $0x38;
	[tilespmem:$0x9010] =	vst v63  }
0x275: {  	s26 =	sor.u32 $0x3C10, s10;
	s28 =	sadd.s32 $0x15E0, s24  }
0x276: {  	[hbm4b:s28+s6] =	stream.linear.scatter [tilespmem:s26], [sflag:$0x4], $0x80, $0x38;
	[tilespmem:$0x9010] =	vst v63  }
0x277: {  	s26 =	sadd.s32 $0x4010, s10;
	s28 =	sadd.s32 $0x1660, s24  }
0x278: {  	[hbm4b:s28+s6] =	stream.linear.scatter [tilespmem:s26], [sflag:$0x4], $0x80, $0x38;
	[tilespmem:$0x9010] =	vst v63  }
0x279: {  	s26 =	sadd.s32 $0x4410, s10;
	s28 =	sadd.s32 $0x16E0, s24  }
0x27a: {  	[hbm4b:s28+s6] =	stream.linear.scatter [tilespmem:s26], [sflag:$0x4], $0x80, $0x38;
	[tilespmem:$0x9010] =	vst v63  }
0x27b: {  	s25 =	sld [smem:s23+$0x0];
	s26 =	sadd.s32 $0x4810, s10;
	s28 =	sadd.s32 $0x1760, s24  }
0x27c: {  	[hbm4b:s28+s6] =	stream.linear.scatter [tilespmem:s26], [sflag:$0x4], $0x80, $0x38;
	[tilespmem:$0x9010] =	vst v63  }
0x27d: {  	s10 =	sadd.s32 $0x4C10, s10;
	s28 =	sadd.s32 $0x17E0, s24  }
0x27e: {  	[hbm4b:s28+s6] =	stream.linear.scatter [tilespmem:s10], [sflag:$0x4], $0x80, $0x38;
	[tilespmem:$0x9010] =	vst v63  }
0x27f: {  	s28 =	sshll.u32 s25, $0xB;
	s25 =	sshll.u32 s25, $0x7  }
0x280: {  	s10 =	sand.u32 $0xFFFFC000, s28;
	s25 =	sand.u32 $0x380, s25  }
0x281: {  	s10 =	sor.u32 s25, s10  }
0x282: {  	s26 =	sadd.s32 $0x1070, s24;
	s28 =	sor.u32 $0x1010, s10  }
0x283: {  	[hbm4b:s26+s6] =	stream.linear.scatter [tilespmem:s28], [sflag:$0x4], $0x80, $0x38;
	[tilespmem:$0x9010] =	vst v63  }
0x284: {  	s26 =	sor.u32 $0x1410, s10;
	s28 =	sadd.s32 $0x10F0, s24  }
0x285: {  	[hbm4b:s28+s6] =	stream.linear.scatter [tilespmem:s26], [sflag:$0x4], $0x80, $0x38;
	[tilespmem:$0x9010] =	vst v63  }
0x286: {  	s26 =	sor.u32 $0x1810, s10;
	s28 =	sadd.s32 $0x1170, s24  }
0x287: {  	[hbm4b:s28+s6] =	stream.linear.scatter [tilespmem:s26], [sflag:$0x4], $0x80, $0x38;
	[tilespmem:$0x9010] =	vst v63  }
0x288: {  	s26 =	sor.u32 $0x1C10, s10;
	s28 =	sadd.s32 $0x11F0, s24  }
0x289: {  	[hbm4b:s28+s6] =	stream.linear.scatter [tilespmem:s26], [sflag:$0x4], $0x80, $0x38;
	[tilespmem:$0x9010] =	vst v63  }
0x28a: {  	s26 =	sor.u32 $0x2010, s10;
	s28 =	sadd.s32 $0x1270, s24  }
0x28b: {  	[hbm4b:s28+s6] =	stream.linear.scatter [tilespmem:s26], [sflag:$0x4], $0x80, $0x38;
	[tilespmem:$0x9010] =	vst v63  }
0x28c: {  	s26 =	sor.u32 $0x2410, s10;
	s28 =	sadd.s32 $0x12F0, s24  }
0x28d: {  	[hbm4b:s28+s6] =	stream.linear.scatter [tilespmem:s26], [sflag:$0x4], $0x80, $0x38;
	[tilespmem:$0x9010] =	vst v63  }
0x28e: {  	s26 =	sor.u32 $0x2810, s10;
	s28 =	sadd.s32 $0x1370, s24  }
0x28f: {  	[hbm4b:s28+s6] =	stream.linear.scatter [tilespmem:s26], [sflag:$0x4], $0x80, $0x38;
	[tilespmem:$0x9010] =	vst v63  }
0x290: {  	s26 =	sor.u32 $0x2C10, s10;
	s28 =	sadd.s32 $0x13F0, s24  }
0x291: {  	[hbm4b:s28+s6] =	stream.linear.scatter [tilespmem:s26], [sflag:$0x4], $0x80, $0x38;
	[tilespmem:$0x9010] =	vst v63  }
0x292: {  	s26 =	sor.u32 $0x3010, s10;
	s28 =	sadd.s32 $0x1470, s24  }
0x293: {  	[hbm4b:s28+s6] =	stream.linear.scatter [tilespmem:s26], [sflag:$0x4], $0x80, $0x38;
	[tilespmem:$0x9010] =	vst v63  }
0x294: {  	s26 =	sor.u32 $0x3410, s10;
	s28 =	sadd.s32 $0x14F0, s24  }
0x295: {  	[hbm4b:s28+s6] =	stream.linear.scatter [tilespmem:s26], [sflag:$0x4], $0x80, $0x38;
	[tilespmem:$0x9010] =	vst v63  }
0x296: {  	s26 =	sor.u32 $0x3810, s10;
	s28 =	sadd.s32 $0x1570, s24  }
0x297: {  	[hbm4b:s28+s6] =	stream.linear.scatter [tilespmem:s26], [sflag:$0x4], $0x80, $0x38;
	[tilespmem:$0x9010] =	vst v63  }
0x298: {  	s26 =	sor.u32 $0x3C10, s10;
	s28 =	sadd.s32 $0x15F0, s24  }
0x299: {  	[hbm4b:s28+s6] =	stream.linear.scatter [tilespmem:s26], [sflag:$0x4], $0x80, $0x38;
	[tilespmem:$0x9010] =	vst v63  }
0x29a: {  	s26 =	sadd.s32 $0x4010, s10;
	s28 =	sadd.s32 $0x1670, s24  }
0x29b: {  	[hbm4b:s28+s6] =	stream.linear.scatter [tilespmem:s26], [sflag:$0x4], $0x80, $0x38;
	[tilespmem:$0x9010] =	vst v63  }
0x29c: {  	s26 =	sadd.s32 $0x4410, s10;
	s28 =	sadd.s32 $0x16F0, s24  }
0x29d: {  	[hbm4b:s28+s6] =	stream.linear.scatter [tilespmem:s26], [sflag:$0x4], $0x80, $0x38;
	[tilespmem:$0x9010] =	vst v63  }
0x29e: {  	p0 =	sne.s32 s22, $0x3E800;
	s26 =	sadd.s32 $0x4810, s10;
	s28 =	sadd.s32 $0x1770, s24  }
0x29f: {  	[hbm4b:s28+s6] =	stream.linear.scatter [tilespmem:s26], [sflag:$0x4], $0x80, $0x38;
	[tilespmem:$0x9010] =	vst v63  }
.Ltmp2:
0x2a0: {  	s10 =	sadd.s32 $0x4C10, s10;
	s24 =	sadd.s32 $0x17F0, s24;
	(pc) =	sbr.rel @p0 .LBB2_5-.Ltmp2, $4  }
0x2a1: {  	[hbm4b:s24+s6] =	stream.linear.scatter [tilespmem:s10], [sflag:$0x4], $0x80, $0x38;
	[tilespmem:$0x9010] =	vst v63  }
0x2a2: {  	_ =	swait.ge [sflag:s13], $0x4000  }
0x2a3: {  	[sflag:s13] =	ssyncset.done $0x0  }
0x2a4: {  	s22 =	sadd.s32 $0x800, s22;
	s23 =	sadd.s32 $0x8, s23;
	[sflag:s13] =	ssyncadd.s32 $0xFFFFC000  }
0x2a5: {  	_ =	swait.ge [sflag:s13], $0x4000  }
0x2a6: {  	[sflag:s13] =	ssyncset.done $0x0  }
0x2a7: {  	[sflag:s13] =	ssyncadd.s32 $0xFFFFC000  }
0x2a8: {  	_ =	swait.ge [sflag:s13], $0x4000  }
0x2a9: {  	s21 =	sadd.s32 $0x1, s21;
	s10 =	rddreg [dreg:$0xc]  }
0x2aa: {  	p0 =	sne.s32 s21, s10  }
.Ltmp3:
0x2ab: {  	_ = 	snop;
	(pc) =	sbr.rel @p0 .LBB2_1-.Ltmp3, $3  }
0x2ac: {  	_ =	sdelay $0x1  }
0x2ad: {  	[sflag:s13] =	ssyncset.done $0x0  }
0x2ae: {  	s25 =	simm.s32 $0xC10;
	[sflag:s13] =	ssyncadd.s32 $0xFFFFC000  }
0x2af: {  	_ =	sfence.sel $0x180000  }
0x2b0: {  	[bflag:$0x0] =	sbarrier.arrive $0xFFFF  }
0x2b1: {  	_ =	strace $0x90000047  }
0x2b2: {  	s0 =	stileid.u32;
	[bflag:$0x2] =	sbarrier.arrive $0xFFFF  }
0x2b3: {  	p0 =	sne.s32 s0, $0x0;
	s0 =	rddreg [dreg:$0x7]  }
0x2b4: {  	s0 =	sadd.s32 @!p0 $0x100000, s0  }
0x2b5: {  	[sflag:s0] =	ssyncadd.tile.s32 @!p0 $0x1;
	_ =	shalt  }
.Lfunc_end2:
_tile_overlayer_lowered:
.L_overlay_start_2:
0x2b6: {  	(tag) =	ssettag $0x2  }
0x2b7: {  	s0 =	rddreg [dreg:$0x0];
	s2 =	stileid.u32  }
0x2b8: {  	s1 =	rddreg [dreg:$0x1];
	p0 =	sne.s32 s2, $0x0  }
0x2b9: {  	s3 =	rddreg [dreg:$0x2];
	[bflag:$0x3] =	sbarrier.arrive $0xFFFF;
	s2 =	simm.s32 @!p0 $0x1C05  }
0x2ba: {  	[timem:s3], [sflag:s2] =	dma.local @!p0 [hbm:s0], s1  }
0x2bb: {  	s0 =	simm.s32 @!p0 $0x5  }
0x2bc: {  	_ =	swait.ge @!p0 [sflag:s0], s1  }
0x2bd: {  	s1 =	ssub.s32 @!p0 $0x0, s1;
	[sflag:s0] =	ssyncset.done @!p0 $0x0  }
0x2be: {  	[sflag:s0] =	ssyncadd.s32 @!p0 s1  }
0x2bf: {  	[bflag:$0x3] =	sbarrier.arrive $0xFFFF  }
0x2c0: {  	_ =	shalt  }

</sc_bundles>
